<compile_context>
chip_gen: v7x
topology: tpu7x:2x2x1
jax: 0.10.2.dev20260603
libtpu: 0.0.44.dev20260713+nightly
codegen_flags: <defaults>
</compile_context>

<pallas_src>
import jax
import jax.numpy as jnp
from jax import lax
from jax.experimental import pallas as pl
from jax.experimental.pallas import tpu as pltpu
from jax.experimental.pallas import tpu_sc as plsc


def _loss_body(table_hbm, ind_hbm, mask_hbm, tgt_hbm, out_hbm,
               ind_v, mask_v, tgt_v, idx_v, pred_v, part_v, out_v,
               slab, red_v, sem, gsem):
    B, M = 16, 128
    D, HW = 3, 128 * 128
    L = 16
    NCH = M // L
    beta = 1.0 / 9.0

    s = lax.axis_index("s")
    b = s

    d_ind = pltpu.async_copy(ind_hbm.at[b], ind_v, sem)
    d_msk = pltpu.async_copy(mask_hbm.at[b], mask_v, sem)
    d_tgt = pltpu.async_copy(tgt_hbm.at[pl.ds(b * M, M)], tgt_v, sem)
    d_ind.wait()

    descs = []
    for d in range(D):
        base = (b * D + d) * HW
        for c in range(NCH):
            idx_v[d, pl.ds(c * L, L)] = ind_v[pl.ds(c * L, L)] + base
        descs.append(
            pltpu.async_copy(table_hbm.at[idx_v.at[d]], pred_v.at[d], gsem[d]))
    d_msk.wait()
    d_tgt.wait()

    def make_chunk(d, with_mask):
        def chunk(c, carry):
            a, ms = carry
            mk = mask_v[pl.ds(c * L, L)].astype(jnp.float32)
            if with_mask:
                ms = ms + mk
            midx = lax.iota(jnp.int32, L) + c * L
            pr = pred_v[d, pl.ds(c * L, L)]
            tg = plsc.load_gather(tgt_v, [midx, jnp.full((L,), d, jnp.int32)])
            m = mk * jnp.where(tg == tg, 1.0, 0.0).astype(jnp.float32)
            n = jnp.abs(pr * m - tg * m)
            loss = jnp.where(n < beta, 0.5 * n * n / beta, n - 0.5 * beta)
            return a + loss, ms
        return chunk

    z = jnp.zeros((L,), jnp.float32)
    acc = []
    msum = z
    for d in range(D):
        descs[d].wait()
        a, msum = lax.fori_loop(0, NCH, make_chunk(d, d == 0), (z, msum))
        acc.append(a)

    lane = lax.iota(jnp.int32, L)
    l0 = jnp.sum(acc[0])
    l1 = jnp.sum(acc[1])
    l2 = jnp.sum(acc[2])
    ms = jnp.sum(msum)
    packed = jnp.where(
        lane == 0, l0,
        jnp.where(lane == 1, l1, jnp.where(lane == 2, l2, ms)))
    part_v[:] = packed

    pltpu.sync_copy(part_v, slab.at[s])
    plsc.subcore_barrier()

    @pl.when(s == 0)
    def _():
        pltpu.sync_copy(slab, red_v)
        tot = jnp.zeros((L,), jnp.float32)
        for w in range(16):
            tot = tot + red_v[w, :]
        num = jnp.sum(jnp.where(lane == 3, tot, 0.0))
        denom = jnp.full((L,), num + 0.0001, jnp.float32)
        out_v[:] = tot / denom
        pltpu.sync_copy(out_v.at[pl.ds(0, 3)], out_hbm)


@jax.jit
def _run(table, ind, mask, target):
    B, M = ind.shape
    D = 3
    mesh = plsc.VectorSubcoreMesh(
        core_axis_name="c", subcore_axis_name="s", num_cores=1
    )
    f = pl.kernel(
        _loss_body,
        out_type=jax.ShapeDtypeStruct((D,), jnp.float32),
        mesh=mesh,
        compiler_params=pltpu.CompilerParams(
            needs_layout_passes=False, disable_bounds_checks=True),
        scratch_types=[
            pltpu.VMEM((M,), jnp.int32),
            pltpu.VMEM((M,), jnp.int32),
            pltpu.VMEM((M, D), jnp.float32),
            pltpu.VMEM((D, M), jnp.int32),
            pltpu.VMEM((D, M), jnp.float32),
            pltpu.VMEM((16,), jnp.float32),
            pltpu.VMEM((16,), jnp.float32),
            pltpu.HBM((16, 16), jnp.float32),
            pltpu.VMEM((16, 16), jnp.float32),
            pltpu.SemaphoreType.DMA,
            [pltpu.SemaphoreType.DMA] * 3,
        ],
    )
    return f(table, ind, mask, target)


def kernel(output, mask, ind, target):
    B, D, H, W = output.shape
    M = ind.shape[1]
    table = output.reshape(B * D * H * W)
    return _run(table, ind, mask, target.reshape(B * M, D))

# --- scband reference (transcript-rebuilt; emitter-appended) ---
"""Pipeline reference for scband-center-net-reg-dim-loss-85383949844643 (READ-ONLY COPY).

The authoritative reference and input builder live on the scoring server;
editing this copy changes nothing except your own understanding.
"""

import jax, jax.numpy as jnp
import numpy as np


def setup_inputs(seed: int = 0) -> dict:
    key = jax.random.key(seed)
    k1, k2, k3, k4 = jax.random.split(key, 4)
    B, D, H, W, M = 16, 3, 128, 128, 128
    output = jax.random.normal(k1, (B, D, H, W), dtype=jnp.float32)
    mask = jax.random.randint(k2, (B, M), 0, 2).astype(jnp.int32)
    ind = jax.random.randint(k3, (B, M), 0, H * W).astype(jnp.int32)
    target = jax.random.normal(k4, (B, M, D), dtype=jnp.float32)
    return {"output": output, "mask": mask, "ind": ind, "target": target}


def reference(output, mask, ind, target):
    B, D, H, W = output.shape
    M = ind.shape[1]
    # _transpose_and_gather_feat: permute to (B,H,W,D), flatten spatial, gather by ind
    feat = jnp.transpose(output, (0, 2, 3, 1)).reshape(B, H * W, D)
    idx = jnp.broadcast_to(ind[:, :, None], (B, M, D))
    pred = jnp.take_along_axis(feat, idx, axis=1)
    # _reg_loss (smooth L1 with beta = 1/9)
    num = jnp.sum(mask.astype(jnp.float32))
    m = jnp.broadcast_to(mask[:, :, None].astype(jnp.float32), (B, M, D))
    isnotnan = (~jnp.isnan(target)).astype(jnp.float32)
    m = m * isnotnan
    regr = pred * m
    gt_regr = target * m
    beta = 1.0 / 9.0
    n = jnp.abs(regr - gt_regr)
    loss = jnp.where(n < beta, 0.5 * n ** 2 / beta, n - 0.5 * beta)
    loss = jnp.transpose(loss, (2, 1, 0))  # (D, M, B)
    loss = jnp.sum(loss, axis=2)
    loss = jnp.sum(loss, axis=1)
    loss = loss / (num + 0.0001)
    return loss

if __name__ == "__main__":
    import jax
    _d = setup_inputs()
    print(jax.jit(kernel)(*tuple(_d.values())))

</pallas_src>

<mosaic_0001>
#map = affine_map<(d0, d1) -> (0)>
#map1 = affine_map<(d0, d1) -> (0, 0)>
module attributes {stable_mosaic.version = 14 : i64} {
  func.func @_loss_body(%arg0: i32, %arg1: i32, %arg2: memref<786432xf32, #tpu.memory_space<hbm>>, %arg3: memref<16x128xi32, #tpu.memory_space<hbm>>, %arg4: memref<16x128xi32, #tpu.memory_space<hbm>>, %arg5: memref<2048x3xf32, #tpu.memory_space<hbm>>, %arg6: memref<3xf32, #tpu.memory_space<hbm>>, %arg7: memref<128xi32, #tpu.memory_space<vmem>>, %arg8: memref<128xi32, #tpu.memory_space<vmem>>, %arg9: memref<128x3xf32, #tpu.memory_space<vmem>>, %arg10: memref<3x128xi32, #tpu.memory_space<vmem>>, %arg11: memref<3x128xf32, #tpu.memory_space<vmem>>, %arg12: memref<16xf32, #tpu.memory_space<vmem>>, %arg13: memref<16xf32, #tpu.memory_space<vmem>>, %arg14: memref<16x16xf32, #tpu.memory_space<hbm>>, %arg15: memref<16x16xf32, #tpu.memory_space<vmem>>, %arg16: memref<!tpu.dma_semaphore, #tpu.memory_space<semaphore_mem>>, %arg17: memref<!tpu.dma_semaphore, #tpu.memory_space<semaphore_mem>>, %arg18: memref<!tpu.dma_semaphore, #tpu.memory_space<semaphore_mem>>, %arg19: memref<!tpu.dma_semaphore, #tpu.memory_space<semaphore_mem>>) attributes {dimension_semantics = [#tpu.dimension_semantics<core_parallel>, #tpu.dimension_semantics<subcore_parallel>], iteration_bounds = array<i64: 1, 16>, scalar_prefetch = 0 : i64, scratch_operands = 13 : i64, tpu.core_type = #tpu.core_type<sc_vector_subcore>, window_params = [{transform_indices = #map}, {transform_indices = #map1}, {transform_indices = #map1}, {transform_indices = #map1}, {transform_indices = #map}]} {
    %dma_start3A = arith.constant 0 : i32
    %dma_start3A_0 = tpu.memref_slice %arg3[%arg1, %dma_start3A] : memref<16x128xi32, #tpu.memory_space<hbm>> -> memref<1x128xi32, #tpu.memory_space<hbm>>
    %dma_start3A_1 = tpu.memref_squeeze %dma_start3A_0 : memref<1x128xi32, #tpu.memory_space<hbm>> -> memref<128xi32, #tpu.memory_space<hbm>>
    %dma_start3A_2 = arith.constant 0 : i32
    %dma_start3A_3 = tpu.memref_slice %arg3[%arg1, %dma_start3A_2] : memref<16x128xi32, #tpu.memory_space<hbm>> -> memref<1x128xi32, #tpu.memory_space<hbm>>
    %dma_start3A_4 = tpu.memref_squeeze %dma_start3A_3 : memref<1x128xi32, #tpu.memory_space<hbm>> -> memref<128xi32, #tpu.memory_space<hbm>>
    tpu.enqueue_dma source(%dma_start3A_4 : memref<128xi32, #tpu.memory_space<hbm>>) target(%arg7 : memref<128xi32, #tpu.memory_space<vmem>>) target_semaphore(%arg16 : memref<!tpu.dma_semaphore, #tpu.memory_space<semaphore_mem>>)
    %dma_start3A_5 = arith.constant 0 : i32
    %dma_start3A_6 = tpu.memref_slice %arg4[%arg1, %dma_start3A_5] : memref<16x128xi32, #tpu.memory_space<hbm>> -> memref<1x128xi32, #tpu.memory_space<hbm>>
    %dma_start3A_7 = tpu.memref_squeeze %dma_start3A_6 : memref<1x128xi32, #tpu.memory_space<hbm>> -> memref<128xi32, #tpu.memory_space<hbm>>
    %dma_start3A_8 = arith.constant 0 : i32
    %dma_start3A_9 = tpu.memref_slice %arg4[%arg1, %dma_start3A_8] : memref<16x128xi32, #tpu.memory_space<hbm>> -> memref<1x128xi32, #tpu.memory_space<hbm>>
    %dma_start3A_10 = tpu.memref_squeeze %dma_start3A_9 : memref<1x128xi32, #tpu.memory_space<hbm>> -> memref<128xi32, #tpu.memory_space<hbm>>
    tpu.enqueue_dma source(%dma_start3A_10 : memref<128xi32, #tpu.memory_space<hbm>>) target(%arg8 : memref<128xi32, #tpu.memory_space<vmem>>) target_semaphore(%arg16 : memref<!tpu.dma_semaphore, #tpu.memory_space<semaphore_mem>>)
    %mul3A = arith.constant 128 : i32
    %mul3A_11 = arith.muli %arg1, %mul3A : i32
    %dma_start3A_12 = arith.constant 0 : i32
    %dma_start3A_13 = tpu.memref_slice %arg5[%mul3A_11, %dma_start3A_12] : memref<2048x3xf32, #tpu.memory_space<hbm>> -> memref<128x3xf32, #tpu.memory_space<hbm>>
    %dma_start3A_14 = arith.constant 0 : i32
    %dma_start3A_15 = tpu.memref_slice %arg5[%mul3A_11, %dma_start3A_14] : memref<2048x3xf32, #tpu.memory_space<hbm>> -> memref<128x3xf32, #tpu.memory_space<hbm>>
    tpu.enqueue_dma source(%dma_start3A_15 : memref<128x3xf32, #tpu.memory_space<hbm>>) target(%arg9 : memref<128x3xf32, #tpu.memory_space<vmem>>) target_semaphore(%arg16 : memref<!tpu.dma_semaphore, #tpu.memory_space<semaphore_mem>>)
    %dma_wait3A = arith.constant 0 : i32
    %dma_wait3A_16 = tpu.memref_slice %arg3[%arg1, %dma_wait3A] : memref<16x128xi32, #tpu.memory_space<hbm>> -> memref<1x128xi32, #tpu.memory_space<hbm>>
    %dma_wait3A_17 = tpu.memref_squeeze %dma_wait3A_16 : memref<1x128xi32, #tpu.memory_space<hbm>> -> memref<128xi32, #tpu.memory_space<hbm>>
    %dma_wait3A_18 = arith.constant 0 : i32
    %dma_wait3A_19 = tpu.memref_slice %arg3[%arg1, %dma_wait3A_18] : memref<16x128xi32, #tpu.memory_space<hbm>> -> memref<1x128xi32, #tpu.memory_space<hbm>>
    %dma_wait3A_20 = tpu.memref_squeeze %dma_wait3A_19 : memref<1x128xi32, #tpu.memory_space<hbm>> -> memref<128xi32, #tpu.memory_space<hbm>>
    tpu.wait_dma2 semaphore(%arg16 : memref<!tpu.dma_semaphore, #tpu.memory_space<semaphore_mem>>) src(%dma_wait3A_20 : memref<128xi32, #tpu.memory_space<hbm>>) dst(%arg7 : memref<128xi32, #tpu.memory_space<vmem>>)
    %mul3A_21 = arith.constant 3 : i32
    %mul3A_22 = arith.muli %arg1, %mul3A_21 : i32
    %add3A = arith.constant 0 : i32
    %add3A_23 = arith.addi %mul3A_22, %add3A : i32
    %mul3A_24 = arith.constant 16384 : i32
    %mul3A_25 = arith.muli %add3A_23, %mul3A_24 : i32
    %get3A = arith.constant 0 : index
    %get3A_26 = tpu.vector_load %arg7[%get3A] {strides = array<i32>} : memref<128xi32, #tpu.memory_space<vmem>>, vector<16xi32>,
    %add3A_27 = vector.broadcast %mul3A_25 : i32 to vector<16xi32>
    %add3A_28 = arith.addi %get3A_26, %add3A_27 : vector<16xi32>
    %swap3A = arith.constant 0 : i32
    %swap3A_29 = arith.index_cast %swap3A : i32 to index
    %swap3A_30 = arith.constant 0 : index
    %swap3A_31 = tpu.vector_load %arg10[%swap3A_29, %swap3A_30] {strides = array<i32>} : memref<3x128xi32, #tpu.memory_space<vmem>>, vector<16xi32>,
    tpu.vector_store %arg10[%swap3A_29, %swap3A_30], %add3A_28 {strides = array<i32>} : memref<3x128xi32, #tpu.memory_space<vmem>>, vector<16xi32>,
    %get3A_32 = arith.constant 16 : index
    %get3A_33 = tpu.vector_load %arg7[%get3A_32] {strides = array<i32>} : memref<128xi32, #tpu.memory_space<vmem>>, vector<16xi32>,
    %add3A_34 = vector.broadcast %mul3A_25 : i32 to vector<16xi32>
    %add3A_35 = arith.addi %get3A_33, %add3A_34 : vector<16xi32>
    %swap3A_36 = arith.constant 0 : i32
    %swap3A_37 = arith.index_cast %swap3A_36 : i32 to index
    %swap3A_38 = arith.constant 16 : index
    %swap3A_39 = tpu.vector_load %arg10[%swap3A_37, %swap3A_38] {strides = array<i32>} : memref<3x128xi32, #tpu.memory_space<vmem>>, vector<16xi32>,
    tpu.vector_store %arg10[%swap3A_37, %swap3A_38], %add3A_35 {strides = array<i32>} : memref<3x128xi32, #tpu.memory_space<vmem>>, vector<16xi32>,
    %get3A_40 = arith.constant 32 : index
    %get3A_41 = tpu.vector_load %arg7[%get3A_40] {strides = array<i32>} : memref<128xi32, #tpu.memory_space<vmem>>, vector<16xi32>,
    %add3A_42 = vector.broadcast %mul3A_25 : i32 to vector<16xi32>
    %add3A_43 = arith.addi %get3A_41, %add3A_42 : vector<16xi32>
    %swap3A_44 = arith.constant 0 : i32
    %swap3A_45 = arith.index_cast %swap3A_44 : i32 to index
    %swap3A_46 = arith.constant 32 : index
    %swap3A_47 = tpu.vector_load %arg10[%swap3A_45, %swap3A_46] {strides = array<i32>} : memref<3x128xi32, #tpu.memory_space<vmem>>, vector<16xi32>,
    tpu.vector_store %arg10[%swap3A_45, %swap3A_46], %add3A_43 {strides = array<i32>} : memref<3x128xi32, #tpu.memory_space<vmem>>, vector<16xi32>,
    %get3A_48 = arith.constant 48 : index
    %get3A_49 = tpu.vector_load %arg7[%get3A_48] {strides = array<i32>} : memref<128xi32, #tpu.memory_space<vmem>>, vector<16xi32>,
    %add3A_50 = vector.broadcast %mul3A_25 : i32 to vector<16xi32>
    %add3A_51 = arith.addi %get3A_49, %add3A_50 : vector<16xi32>
    %swap3A_52 = arith.constant 0 : i32
    %swap3A_53 = arith.index_cast %swap3A_52 : i32 to index
    %swap3A_54 = arith.constant 48 : index
    %swap3A_55 = tpu.vector_load %arg10[%swap3A_53, %swap3A_54] {strides = array<i32>} : memref<3x128xi32, #tpu.memory_space<vmem>>, vector<16xi32>,
    tpu.vector_store %arg10[%swap3A_53, %swap3A_54], %add3A_51 {strides = array<i32>} : memref<3x128xi32, #tpu.memory_space<vmem>>, vector<16xi32>,
    %get3A_56 = arith.constant 64 : index
    %get3A_57 = tpu.vector_load %arg7[%get3A_56] {strides = array<i32>} : memref<128xi32, #tpu.memory_space<vmem>>, vector<16xi32>,
    %add3A_58 = vector.broadcast %mul3A_25 : i32 to vector<16xi32>
    %add3A_59 = arith.addi %get3A_57, %add3A_58 : vector<16xi32>
    %swap3A_60 = arith.constant 0 : i32
    %swap3A_61 = arith.index_cast %swap3A_60 : i32 to index
    %swap3A_62 = arith.constant 64 : index
    %swap3A_63 = tpu.vector_load %arg10[%swap3A_61, %swap3A_62] {strides = array<i32>} : memref<3x128xi32, #tpu.memory_space<vmem>>, vector<16xi32>,
    tpu.vector_store %arg10[%swap3A_61, %swap3A_62], %add3A_59 {strides = array<i32>} : memref<3x128xi32, #tpu.memory_space<vmem>>, vector<16xi32>,
    %get3A_64 = arith.constant 80 : index
    %get3A_65 = tpu.vector_load %arg7[%get3A_64] {strides = array<i32>} : memref<128xi32, #tpu.memory_space<vmem>>, vector<16xi32>,
    %add3A_66 = vector.broadcast %mul3A_25 : i32 to vector<16xi32>
    %add3A_67 = arith.addi %get3A_65, %add3A_66 : vector<16xi32>
    %swap3A_68 = arith.constant 0 : i32
    %swap3A_69 = arith.index_cast %swap3A_68 : i32 to index
    %swap3A_70 = arith.constant 80 : index
    %swap3A_71 = tpu.vector_load %arg10[%swap3A_69, %swap3A_70] {strides = array<i32>} : memref<3x128xi32, #tpu.memory_space<vmem>>, vector<16xi32>,
    tpu.vector_store %arg10[%swap3A_69, %swap3A_70], %add3A_67 {strides = array<i32>} : memref<3x128xi32, #tpu.memory_space<vmem>>, vector<16xi32>,
    %get3A_72 = arith.constant 96 : index
    %get3A_73 = tpu.vector_load %arg7[%get3A_72] {strides = array<i32>} : memref<128xi32, #tpu.memory_space<vmem>>, vector<16xi32>,
    %add3A_74 = vector.broadcast %mul3A_25 : i32 to vector<16xi32>
    %add3A_75 = arith.addi %get3A_73, %add3A_74 : vector<16xi32>
    %swap3A_76 = arith.constant 0 : i32
    %swap3A_77 = arith.index_cast %swap3A_76 : i32 to index
    %swap3A_78 = arith.constant 96 : index
    %swap3A_79 = tpu.vector_load %arg10[%swap3A_77, %swap3A_78] {strides = array<i32>} : memref<3x128xi32, #tpu.memory_space<vmem>>, vector<16xi32>,
    tpu.vector_store %arg10[%swap3A_77, %swap3A_78], %add3A_75 {strides = array<i32>} : memref<3x128xi32, #tpu.memory_space<vmem>>, vector<16xi32>,
    %get3A_80 = arith.constant 112 : index
    %get3A_81 = tpu.vector_load %arg7[%get3A_80] {strides = array<i32>} : memref<128xi32, #tpu.memory_space<vmem>>, vector<16xi32>,
    %add3A_82 = vector.broadcast %mul3A_25 : i32 to vector<16xi32>
    %add3A_83 = arith.addi %get3A_81, %add3A_82 : vector<16xi32>
    %swap3A_84 = arith.constant 0 : i32
    %swap3A_85 = arith.index_cast %swap3A_84 : i32 to index
    %swap3A_86 = arith.constant 112 : index
    %swap3A_87 = tpu.vector_load %arg10[%swap3A_85, %swap3A_86] {strides = array<i32>} : memref<3x128xi32, #tpu.memory_space<vmem>>, vector<16xi32>,
    tpu.vector_store %arg10[%swap3A_85, %swap3A_86], %add3A_83 {strides = array<i32>} : memref<3x128xi32, #tpu.memory_space<vmem>>, vector<16xi32>,
    %dma_start3A_88 = arith.constant 0 : i32
    %dma_start3A_89 = arith.constant 0 : i32
    %dma_start3A_90 = arith.constant 0 : i32
    %dma_start3A_91 = tpu.memref_slice %arg11[%dma_start3A_89, %dma_start3A_90] : memref<3x128xf32, #tpu.memory_space<vmem>> -> memref<1x128xf32, #tpu.memory_space<vmem>>
    %dma_start3A_92 = tpu.memref_squeeze %dma_start3A_91 : memref<1x128xf32, #tpu.memory_space<vmem>> -> memref<128xf32, #tpu.memory_space<vmem>>
    %dma_start3A_93 = arith.constant 0 : i32
    %dma_start3A_94 = tpu.memref_slice %arg10[%dma_start3A_88, %dma_start3A_93] : memref<3x128xi32, #tpu.memory_space<vmem>> -> memref<1x128xi32, #tpu.memory_space<vmem>>
    %dma_start3A_95 = tpu.memref_squeeze %dma_start3A_94 : memref<1x128xi32, #tpu.memory_space<vmem>> -> memref<128xi32, #tpu.memory_space<vmem>>
    %dma_start3A_96 = arith.constant 0 : i32
    %dma_start3A_97 = tpu.memref_slice %arg2[%dma_start3A_96] : memref<786432xf32, #tpu.memory_space<hbm>> -> memref<786432xf32, #tpu.memory_space<hbm>>
    tpu.enqueue_indirect_dma source(%dma_start3A_97 : memref<786432xf32, #tpu.memory_space<hbm>>) target(%dma_start3A_92 : memref<128xf32, #tpu.memory_space<vmem>>) offsets(%dma_start3A_95 : memref<128xi32, #tpu.memory_space<vmem>>) semaphore(%arg17 : memref<!tpu.dma_semaphore, #tpu.memory_space<semaphore_mem>>)
    %mul3A_98 = arith.constant 3 : i32
    %mul3A_99 = arith.muli %arg1, %mul3A_98 : i32
    %add3A_100 = arith.constant 1 : i32
    %add3A_101 = arith.addi %mul3A_99, %add3A_100 : i32
    %mul3A_102 = arith.constant 16384 : i32
    %mul3A_103 = arith.muli %add3A_101, %mul3A_102 : i32
    %get3A_104 = arith.constant 0 : index
    %get3A_105 = tpu.vector_load %arg7[%get3A_104] {strides = array<i32>} : memref<128xi32, #tpu.memory_space<vmem>>, vector<16xi32>,
    %add3A_106 = vector.broadcast %mul3A_103 : i32 to vector<16xi32>
    %add3A_107 = arith.addi %get3A_105, %add3A_106 : vector<16xi32>
    %swap3A_108 = arith.constant 1 : i32
    %swap3A_109 = arith.index_cast %swap3A_108 : i32 to index
    %swap3A_110 = arith.constant 0 : index
    %swap3A_111 = tpu.vector_load %arg10[%swap3A_109, %swap3A_110] {strides = array<i32>} : memref<3x128xi32, #tpu.memory_space<vmem>>, vector<16xi32>,
    tpu.vector_store %arg10[%swap3A_109, %swap3A_110], %add3A_107 {strides = array<i32>} : memref<3x128xi32, #tpu.memory_space<vmem>>, vector<16xi32>,
    %get3A_112 = arith.constant 16 : index
    %get3A_113 = tpu.vector_load %arg7[%get3A_112] {strides = array<i32>} : memref<128xi32, #tpu.memory_space<vmem>>, vector<16xi32>,
    %add3A_114 = vector.broadcast %mul3A_103 : i32 to vector<16xi32>
    %add3A_115 = arith.addi %get3A_113, %add3A_114 : vector<16xi32>
    %swap3A_116 = arith.constant 1 : i32
    %swap3A_117 = arith.index_cast %swap3A_116 : i32 to index
    %swap3A_118 = arith.constant 16 : index
    %swap3A_119 = tpu.vector_load %arg10[%swap3A_117, %swap3A_118] {strides = array<i32>} : memref<3x128xi32, #tpu.memory_space<vmem>>, vector<16xi32>,
    tpu.vector_store %arg10[%swap3A_117, %swap3A_118], %add3A_115 {strides = array<i32>} : memref<3x128xi32, #tpu.memory_space<vmem>>, vector<16xi32>,
    %get3A_120 = arith.constant 32 : index
    %get3A_121 = tpu.vector_load %arg7[%get3A_120] {strides = array<i32>} : memref<128xi32, #tpu.memory_space<vmem>>, vector<16xi32>,
    %add3A_122 = vector.broadcast %mul3A_103 : i32 to vector<16xi32>
    %add3A_123 = arith.addi %get3A_121, %add3A_122 : vector<16xi32>
    %swap3A_124 = arith.constant 1 : i32
    %swap3A_125 = arith.index_cast %swap3A_124 : i32 to index
    %swap3A_126 = arith.constant 32 : index
    %swap3A_127 = tpu.vector_load %arg10[%swap3A_125, %swap3A_126] {strides = array<i32>} : memref<3x128xi32, #tpu.memory_space<vmem>>, vector<16xi32>,
    tpu.vector_store %arg10[%swap3A_125, %swap3A_126], %add3A_123 {strides = array<i32>} : memref<3x128xi32, #tpu.memory_space<vmem>>, vector<16xi32>,
    %get3A_128 = arith.constant 48 : index
    %get3A_129 = tpu.vector_load %arg7[%get3A_128] {strides = array<i32>} : memref<128xi32, #tpu.memory_space<vmem>>, vector<16xi32>,
    %add3A_130 = vector.broadcast %mul3A_103 : i32 to vector<16xi32>
    %add3A_131 = arith.addi %get3A_129, %add3A_130 : vector<16xi32>
    %swap3A_132 = arith.constant 1 : i32
    %swap3A_133 = arith.index_cast %swap3A_132 : i32 to index
    %swap3A_134 = arith.constant 48 : index
    %swap3A_135 = tpu.vector_load %arg10[%swap3A_133, %swap3A_134] {strides = array<i32>} : memref<3x128xi32, #tpu.memory_space<vmem>>, vector<16xi32>,
    tpu.vector_store %arg10[%swap3A_133, %swap3A_134], %add3A_131 {strides = array<i32>} : memref<3x128xi32, #tpu.memory_space<vmem>>, vector<16xi32>,
    %get3A_136 = arith.constant 64 : index
    %get3A_137 = tpu.vector_load %arg7[%get3A_136] {strides = array<i32>} : memref<128xi32, #tpu.memory_space<vmem>>, vector<16xi32>,
    %add3A_138 = vector.broadcast %mul3A_103 : i32 to vector<16xi32>
    %add3A_139 = arith.addi %get3A_137, %add3A_138 : vector<16xi32>
    %swap3A_140 = arith.constant 1 : i32
    %swap3A_141 = arith.index_cast %swap3A_140 : i32 to index
    %swap3A_142 = arith.constant 64 : index
    %swap3A_143 = tpu.vector_load %arg10[%swap3A_141, %swap3A_142] {strides = array<i32>} : memref<3x128xi32, #tpu.memory_space<vmem>>, vector<16xi32>,
    tpu.vector_store %arg10[%swap3A_141, %swap3A_142], %add3A_139 {strides = array<i32>} : memref<3x128xi32, #tpu.memory_space<vmem>>, vector<16xi32>,
    %get3A_144 = arith.constant 80 : index
    %get3A_145 = tpu.vector_load %arg7[%get3A_144] {strides = array<i32>} : memref<128xi32, #tpu.memory_space<vmem>>, vector<16xi32>,
    %add3A_146 = vector.broadcast %mul3A_103 : i32 to vector<16xi32>
    %add3A_147 = arith.addi %get3A_145, %add3A_146 : vector<16xi32>
    %swap3A_148 = arith.constant 1 : i32
    %swap3A_149 = arith.index_cast %swap3A_148 : i32 to index
    %swap3A_150 = arith.constant 80 : index
    %swap3A_151 = tpu.vector_load %arg10[%swap3A_149, %swap3A_150] {strides = array<i32>} : memref<3x128xi32, #tpu.memory_space<vmem>>, vector<16xi32>,
    tpu.vector_store %arg10[%swap3A_149, %swap3A_150], %add3A_147 {strides = array<i32>} : memref<3x128xi32, #tpu.memory_space<vmem>>, vector<16xi32>,
    %get3A_152 = arith.constant 96 : index
    %get3A_153 = tpu.vector_load %arg7[%get3A_152] {strides = array<i32>} : memref<128xi32, #tpu.memory_space<vmem>>, vector<16xi32>,
    %add3A_154 = vector.broadcast %mul3A_103 : i32 to vector<16xi32>
    %add3A_155 = arith.addi %get3A_153, %add3A_154 : vector<16xi32>
    %swap3A_156 = arith.constant 1 : i32
    %swap3A_157 = arith.index_cast %swap3A_156 : i32 to index
    %swap3A_158 = arith.constant 96 : index
    %swap3A_159 = tpu.vector_load %arg10[%swap3A_157, %swap3A_158] {strides = array<i32>} : memref<3x128xi32, #tpu.memory_space<vmem>>, vector<16xi32>,
    tpu.vector_store %arg10[%swap3A_157, %swap3A_158], %add3A_155 {strides = array<i32>} : memref<3x128xi32, #tpu.memory_space<vmem>>, vector<16xi32>,
    %get3A_160 = arith.constant 112 : index
    %get3A_161 = tpu.vector_load %arg7[%get3A_160] {strides = array<i32>} : memref<128xi32, #tpu.memory_space<vmem>>, vector<16xi32>,
    %add3A_162 = vector.broadcast %mul3A_103 : i32 to vector<16xi32>
    %add3A_163 = arith.addi %get3A_161, %add3A_162 : vector<16xi32>
    %swap3A_164 = arith.constant 1 : i32
    %swap3A_165 = arith.index_cast %swap3A_164 : i32 to index
    %swap3A_166 = arith.constant 112 : index
    %swap3A_167 = tpu.vector_load %arg10[%swap3A_165, %swap3A_166] {strides = array<i32>} : memref<3x128xi32, #tpu.memory_space<vmem>>, vector<16xi32>,
    tpu.vector_store %arg10[%swap3A_165, %swap3A_166], %add3A_163 {strides = array<i32>} : memref<3x128xi32, #tpu.memory_space<vmem>>, vector<16xi32>,
    %dma_start3A_168 = arith.constant 1 : i32
    %dma_start3A_169 = arith.constant 1 : i32
    %dma_start3A_170 = arith.constant 0 : i32
    %dma_start3A_171 = tpu.memref_slice %arg11[%dma_start3A_169, %dma_start3A_170] : memref<3x128xf32, #tpu.memory_space<vmem>> -> memref<1x128xf32, #tpu.memory_space<vmem>>
    %dma_start3A_172 = tpu.memref_squeeze %dma_start3A_171 : memref<1x128xf32, #tpu.memory_space<vmem>> -> memref<128xf32, #tpu.memory_space<vmem>>
    %dma_start3A_173 = arith.constant 0 : i32
    %dma_start3A_174 = tpu.memref_slice %arg10[%dma_start3A_168, %dma_start3A_173] : memref<3x128xi32, #tpu.memory_space<vmem>> -> memref<1x128xi32, #tpu.memory_space<vmem>>
    %dma_start3A_175 = tpu.memref_squeeze %dma_start3A_174 : memref<1x128xi32, #tpu.memory_space<vmem>> -> memref<128xi32, #tpu.memory_space<vmem>>
    %dma_start3A_176 = arith.constant 0 : i32
    %dma_start3A_177 = tpu.memref_slice %arg2[%dma_start3A_176] : memref<786432xf32, #tpu.memory_space<hbm>> -> memref<786432xf32, #tpu.memory_space<hbm>>
    tpu.enqueue_indirect_dma source(%dma_start3A_177 : memref<786432xf32, #tpu.memory_space<hbm>>) target(%dma_start3A_172 : memref<128xf32, #tpu.memory_space<vmem>>) offsets(%dma_start3A_175 : memref<128xi32, #tpu.memory_space<vmem>>) semaphore(%arg18 : memref<!tpu.dma_semaphore, #tpu.memory_space<semaphore_mem>>)
    %mul3A_178 = arith.constant 3 : i32
    %mul3A_179 = arith.muli %arg1, %mul3A_178 : i32
    %add3A_180 = arith.constant 2 : i32
    %add3A_181 = arith.addi %mul3A_179, %add3A_180 : i32
    %mul3A_182 = arith.constant 16384 : i32
    %mul3A_183 = arith.muli %add3A_181, %mul3A_182 : i32
    %get3A_184 = arith.constant 0 : index
    %get3A_185 = tpu.vector_load %arg7[%get3A_184] {strides = array<i32>} : memref<128xi32, #tpu.memory_space<vmem>>, vector<16xi32>,
    %add3A_186 = vector.broadcast %mul3A_183 : i32 to vector<16xi32>
    %add3A_187 = arith.addi %get3A_185, %add3A_186 : vector<16xi32>
    %swap3A_188 = arith.constant 2 : i32
    %swap3A_189 = arith.index_cast %swap3A_188 : i32 to index
    %swap3A_190 = arith.constant 0 : index
    %swap3A_191 = tpu.vector_load %arg10[%swap3A_189, %swap3A_190] {strides = array<i32>} : memref<3x128xi32, #tpu.memory_space<vmem>>, vector<16xi32>,
    tpu.vector_store %arg10[%swap3A_189, %swap3A_190], %add3A_187 {strides = array<i32>} : memref<3x128xi32, #tpu.memory_space<vmem>>, vector<16xi32>,
    %get3A_192 = arith.constant 16 : index
    %get3A_193 = tpu.vector_load %arg7[%get3A_192] {strides = array<i32>} : memref<128xi32, #tpu.memory_space<vmem>>, vector<16xi32>,
    %add3A_194 = vector.broadcast %mul3A_183 : i32 to vector<16xi32>
    %add3A_195 = arith.addi %get3A_193, %add3A_194 : vector<16xi32>
    %swap3A_196 = arith.constant 2 : i32
    %swap3A_197 = arith.index_cast %swap3A_196 : i32 to index
    %swap3A_198 = arith.constant 16 : index
    %swap3A_199 = tpu.vector_load %arg10[%swap3A_197, %swap3A_198] {strides = array<i32>} : memref<3x128xi32, #tpu.memory_space<vmem>>, vector<16xi32>,
    tpu.vector_store %arg10[%swap3A_197, %swap3A_198], %add3A_195 {strides = array<i32>} : memref<3x128xi32, #tpu.memory_space<vmem>>, vector<16xi32>,
    %get3A_200 = arith.constant 32 : index
    %get3A_201 = tpu.vector_load %arg7[%get3A_200] {strides = array<i32>} : memref<128xi32, #tpu.memory_space<vmem>>, vector<16xi32>,
    %add3A_202 = vector.broadcast %mul3A_183 : i32 to vector<16xi32>
    %add3A_203 = arith.addi %get3A_201, %add3A_202 : vector<16xi32>
    %swap3A_204 = arith.constant 2 : i32
    %swap3A_205 = arith.index_cast %swap3A_204 : i32 to index
    %swap3A_206 = arith.constant 32 : index
    %swap3A_207 = tpu.vector_load %arg10[%swap3A_205, %swap3A_206] {strides = array<i32>} : memref<3x128xi32, #tpu.memory_space<vmem>>, vector<16xi32>,
    tpu.vector_store %arg10[%swap3A_205, %swap3A_206], %add3A_203 {strides = array<i32>} : memref<3x128xi32, #tpu.memory_space<vmem>>, vector<16xi32>,
    %get3A_208 = arith.constant 48 : index
    %get3A_209 = tpu.vector_load %arg7[%get3A_208] {strides = array<i32>} : memref<128xi32, #tpu.memory_space<vmem>>, vector<16xi32>,
    %add3A_210 = vector.broadcast %mul3A_183 : i32 to vector<16xi32>
    %add3A_211 = arith.addi %get3A_209, %add3A_210 : vector<16xi32>
    %swap3A_212 = arith.constant 2 : i32
    %swap3A_213 = arith.index_cast %swap3A_212 : i32 to index
    %swap3A_214 = arith.constant 48 : index
    %swap3A_215 = tpu.vector_load %arg10[%swap3A_213, %swap3A_214] {strides = array<i32>} : memref<3x128xi32, #tpu.memory_space<vmem>>, vector<16xi32>,
    tpu.vector_store %arg10[%swap3A_213, %swap3A_214], %add3A_211 {strides = array<i32>} : memref<3x128xi32, #tpu.memory_space<vmem>>, vector<16xi32>,
    %get3A_216 = arith.constant 64 : index
    %get3A_217 = tpu.vector_load %arg7[%get3A_216] {strides = array<i32>} : memref<128xi32, #tpu.memory_space<vmem>>, vector<16xi32>,
    %add3A_218 = vector.broadcast %mul3A_183 : i32 to vector<16xi32>
    %add3A_219 = arith.addi %get3A_217, %add3A_218 : vector<16xi32>
    %swap3A_220 = arith.constant 2 : i32
    %swap3A_221 = arith.index_cast %swap3A_220 : i32 to index
    %swap3A_222 = arith.constant 64 : index
    %swap3A_223 = tpu.vector_load %arg10[%swap3A_221, %swap3A_222] {strides = array<i32>} : memref<3x128xi32, #tpu.memory_space<vmem>>, vector<16xi32>,
    tpu.vector_store %arg10[%swap3A_221, %swap3A_222], %add3A_219 {strides = array<i32>} : memref<3x128xi32, #tpu.memory_space<vmem>>, vector<16xi32>,
    %get3A_224 = arith.constant 80 : index
    %get3A_225 = tpu.vector_load %arg7[%get3A_224] {strides = array<i32>} : memref<128xi32, #tpu.memory_space<vmem>>, vector<16xi32>,
    %add3A_226 = vector.broadcast %mul3A_183 : i32 to vector<16xi32>
    %add3A_227 = arith.addi %get3A_225, %add3A_226 : vector<16xi32>
    %swap3A_228 = arith.constant 2 : i32
    %swap3A_229 = arith.index_cast %swap3A_228 : i32 to index
    %swap3A_230 = arith.constant 80 : index
    %swap3A_231 = tpu.vector_load %arg10[%swap3A_229, %swap3A_230] {strides = array<i32>} : memref<3x128xi32, #tpu.memory_space<vmem>>, vector<16xi32>,
    tpu.vector_store %arg10[%swap3A_229, %swap3A_230], %add3A_227 {strides = array<i32>} : memref<3x128xi32, #tpu.memory_space<vmem>>, vector<16xi32>,
    %get3A_232 = arith.constant 96 : index
    %get3A_233 = tpu.vector_load %arg7[%get3A_232] {strides = array<i32>} : memref<128xi32, #tpu.memory_space<vmem>>, vector<16xi32>,
    %add3A_234 = vector.broadcast %mul3A_183 : i32 to vector<16xi32>
    %add3A_235 = arith.addi %get3A_233, %add3A_234 : vector<16xi32>
    %swap3A_236 = arith.constant 2 : i32
    %swap3A_237 = arith.index_cast %swap3A_236 : i32 to index
    %swap3A_238 = arith.constant 96 : index
    %swap3A_239 = tpu.vector_load %arg10[%swap3A_237, %swap3A_238] {strides = array<i32>} : memref<3x128xi32, #tpu.memory_space<vmem>>, vector<16xi32>,
    tpu.vector_store %arg10[%swap3A_237, %swap3A_238], %add3A_235 {strides = array<i32>} : memref<3x128xi32, #tpu.memory_space<vmem>>, vector<16xi32>,
    %get3A_240 = arith.constant 112 : index
    %get3A_241 = tpu.vector_load %arg7[%get3A_240] {strides = array<i32>} : memref<128xi32, #tpu.memory_space<vmem>>, vector<16xi32>,
    %add3A_242 = vector.broadcast %mul3A_183 : i32 to vector<16xi32>
    %add3A_243 = arith.addi %get3A_241, %add3A_242 : vector<16xi32>
    %swap3A_244 = arith.constant 2 : i32
    %swap3A_245 = arith.index_cast %swap3A_244 : i32 to index
    %swap3A_246 = arith.constant 112 : index
    %swap3A_247 = tpu.vector_load %arg10[%swap3A_245, %swap3A_246] {strides = array<i32>} : memref<3x128xi32, #tpu.memory_space<vmem>>, vector<16xi32>,
    tpu.vector_store %arg10[%swap3A_245, %swap3A_246], %add3A_243 {strides = array<i32>} : memref<3x128xi32, #tpu.memory_space<vmem>>, vector<16xi32>,
    %dma_start3A_248 = arith.constant 2 : i32
    %dma_start3A_249 = arith.constant 2 : i32
    %dma_start3A_250 = arith.constant 0 : i32
    %dma_start3A_251 = tpu.memref_slice %arg11[%dma_start3A_249, %dma_start3A_250] : memref<3x128xf32, #tpu.memory_space<vmem>> -> memref<1x128xf32, #tpu.memory_space<vmem>>
    %dma_start3A_252 = tpu.memref_squeeze %dma_start3A_251 : memref<1x128xf32, #tpu.memory_space<vmem>> -> memref<128xf32, #tpu.memory_space<vmem>>
    %dma_start3A_253 = arith.constant 0 : i32
    %dma_start3A_254 = tpu.memref_slice %arg10[%dma_start3A_248, %dma_start3A_253] : memref<3x128xi32, #tpu.memory_space<vmem>> -> memref<1x128xi32, #tpu.memory_space<vmem>>
    %dma_start3A_255 = tpu.memref_squeeze %dma_start3A_254 : memref<1x128xi32, #tpu.memory_space<vmem>> -> memref<128xi32, #tpu.memory_space<vmem>>
    %dma_start3A_256 = arith.constant 0 : i32
    %dma_start3A_257 = tpu.memref_slice %arg2[%dma_start3A_256] : memref<786432xf32, #tpu.memory_space<hbm>> -> memref<786432xf32, #tpu.memory_space<hbm>>
    tpu.enqueue_indirect_dma source(%dma_start3A_257 : memref<786432xf32, #tpu.memory_space<hbm>>) target(%dma_start3A_252 : memref<128xf32, #tpu.memory_space<vmem>>) offsets(%dma_start3A_255 : memref<128xi32, #tpu.memory_space<vmem>>) semaphore(%arg19 : memref<!tpu.dma_semaphore, #tpu.memory_space<semaphore_mem>>)
    %dma_wait3A_258 = arith.constant 0 : i32
    %dma_wait3A_259 = tpu.memref_slice %arg4[%arg1, %dma_wait3A_258] : memref<16x128xi32, #tpu.memory_space<hbm>> -> memref<1x128xi32, #tpu.memory_space<hbm>>
    %dma_wait3A_260 = tpu.memref_squeeze %dma_wait3A_259 : memref<1x128xi32, #tpu.memory_space<hbm>> -> memref<128xi32, #tpu.memory_space<hbm>>
    %dma_wait3A_261 = arith.constant 0 : i32
    %dma_wait3A_262 = tpu.memref_slice %arg4[%arg1, %dma_wait3A_261] : memref<16x128xi32, #tpu.memory_space<hbm>> -> memref<1x128xi32, #tpu.memory_space<hbm>>
    %dma_wait3A_263 = tpu.memref_squeeze %dma_wait3A_262 : memref<1x128xi32, #tpu.memory_space<hbm>> -> memref<128xi32, #tpu.memory_space<hbm>>
    tpu.wait_dma2 semaphore(%arg16 : memref<!tpu.dma_semaphore, #tpu.memory_space<semaphore_mem>>) src(%dma_wait3A_263 : memref<128xi32, #tpu.memory_space<hbm>>) dst(%arg8 : memref<128xi32, #tpu.memory_space<vmem>>)
    %dma_wait3A_264 = arith.constant 0 : i32
    %dma_wait3A_265 = tpu.memref_slice %arg5[%mul3A_11, %dma_wait3A_264] : memref<2048x3xf32, #tpu.memory_space<hbm>> -> memref<128x3xf32, #tpu.memory_space<hbm>>
    %dma_wait3A_266 = arith.constant 0 : i32
    %dma_wait3A_267 = tpu.memref_slice %arg5[%mul3A_11, %dma_wait3A_266] : memref<2048x3xf32, #tpu.memory_space<hbm>> -> memref<128x3xf32, #tpu.memory_space<hbm>>
    tpu.wait_dma2 semaphore(%arg16 : memref<!tpu.dma_semaphore, #tpu.memory_space<semaphore_mem>>) src(%dma_wait3A_267 : memref<128x3xf32, #tpu.memory_space<hbm>>) dst(%arg9 : memref<128x3xf32, #tpu.memory_space<vmem>>)
    %broadcast_in_dim3A = arith.constant 0.000000e+00 : f32
    %broadcast_in_dim3A_268 = vector.broadcast %broadcast_in_dim3A : f32 to vector<16xf32>
    %dma_wait3A_269 = arith.constant 0 : i32
    %dma_wait3A_270 = arith.constant 0 : i32
    %dma_wait3A_271 = arith.constant 0 : i32
    %dma_wait3A_272 = tpu.memref_slice %arg11[%dma_wait3A_270, %dma_wait3A_271] : memref<3x128xf32, #tpu.memory_space<vmem>> -> memref<1x128xf32, #tpu.memory_space<vmem>>
    %dma_wait3A_273 = tpu.memref_squeeze %dma_wait3A_272 : memref<1x128xf32, #tpu.memory_space<vmem>> -> memref<128xf32, #tpu.memory_space<vmem>>
    %dma_wait3A_274 = arith.constant 0 : i32
    %dma_wait3A_275 = tpu.memref_slice %arg10[%dma_wait3A_269, %dma_wait3A_274] : memref<3x128xi32, #tpu.memory_space<vmem>> -> memref<1x128xi32, #tpu.memory_space<vmem>>
    %dma_wait3A_276 = tpu.memref_squeeze %dma_wait3A_275 : memref<1x128xi32, #tpu.memory_space<vmem>> -> memref<128xi32, #tpu.memory_space<vmem>>
    %dma_wait3A_277 = arith.constant 0 : i32
    %dma_wait3A_278 = tpu.memref_slice %arg2[%dma_wait3A_277] : memref<786432xf32, #tpu.memory_space<hbm>> -> memref<786432xf32, #tpu.memory_space<hbm>>
    tpu.wait_indirect_dma semaphore(%arg17 : memref<!tpu.dma_semaphore, #tpu.memory_space<semaphore_mem>>) src(%dma_wait3A_278 : memref<786432xf32, #tpu.memory_space<hbm>>) dst(%dma_wait3A_273 : memref<128xf32, #tpu.memory_space<vmem>>)
    %scan3A = arith.constant 0 : i32
    %scan3A_279 = arith.constant 8 : i32
    %scan3A_280 = arith.addi %scan3A, %scan3A_279 : i32
    %scan3A_281 = arith.constant 1 : i32
    %scan3A_282:2 = scf.for %scan3A_350 = %scan3A to %scan3A_280 step %scan3A_281 iter_args(%scan3A_351 = %broadcast_in_dim3A_268, %scan3A_352 = %broadcast_in_dim3A_268) -> (vector<16xf32>, vector<16xf32>)  : i32 {
      %mul3A_353 = arith.constant 16 : i32
      %mul3A_354 = arith.muli %scan3A_350, %mul3A_353 : i32
      %get3A_355 = arith.index_cast %mul3A_354 : i32 to index
      %get3A_356 = tpu.vector_load %arg8[%get3A_355] {strides = array<i32>} : memref<128xi32, #tpu.memory_space<vmem>>, vector<16xi32>,
      %convert_element_type3A_357 = arith.sitofp %get3A_356 : vector<16xi32> to vector<16xf32>
      %add3A_358 = arith.addf %scan3A_352, %convert_element_type3A_357 : vector<16xf32>
      %iota3A_359 = tpu.iota {dimensions = array<i32: 0>} : vector<16xi32>
      %mul3A_360 = arith.constant 16 : i32
      %mul3A_361 = arith.muli %scan3A_350, %mul3A_360 : i32
      %add3A_362 = vector.broadcast %mul3A_361 : i32 to vector<16xi32>
      %add3A_363 = arith.addi %iota3A_359, %add3A_362 : vector<16xi32>
      %mul3A_364 = arith.constant 16 : i32
      %mul3A_365 = arith.muli %scan3A_350, %mul3A_364 : i32
      %get3A_366 = arith.constant 0 : i32
      %get3A_367 = arith.index_cast %get3A_366 : i32 to index
      %get3A_368 = arith.index_cast %mul3A_365 : i32 to index
      %get3A_369 = tpu.vector_load %arg11[%get3A_367, %get3A_368] {strides = array<i32>} : memref<3x128xf32, #tpu.memory_space<vmem>>, vector<16xf32>,
      %broadcast_in_dim3A_370 = arith.constant 0 : i32
      %broadcast_in_dim3A_371 = vector.broadcast %broadcast_in_dim3A_370 : i32 to vector<16xi32>
      %gather3A = tpu.vector_load_idx %arg9[%add3A_363, %broadcast_in_dim3A_371] : memref<128x3xf32, #tpu.memory_space<vmem>>[vector<16xi32>, vector<16xi32>], vector<16xf32>,
      %eq3A_372 = arith.cmpf oeq, %gather3A, %gather3A : vector<16xf32>
      %jit3A = arith.constant 1.000000e+00 : f32
      %jit3A_373 = arith.constant 0.000000e+00 : f32
      %broadcast_in_dim3A_374 = vector.broadcast %jit3A : f32 to vector<16xf32>
      %broadcast_in_dim3A_375 = vector.broadcast %jit3A_373 : f32 to vector<16xf32>
      %select_n3A_376 = arith.select %eq3A_372, %broadcast_in_dim3A_374, %broadcast_in_dim3A_375 : vector<16xi1>, vector<16xf32>
      %mul3A_377 = arith.mulf %convert_element_type3A_357, %select_n3A_376 : vector<16xf32>
      %mul3A_378 = arith.mulf %get3A_369, %mul3A_377 : vector<16xf32>
      %mul3A_379 = arith.mulf %gather3A, %mul3A_377 : vector<16xf32>
      %sub3A = arith.subf %mul3A_378, %mul3A_379 : vector<16xf32>
      %abs3A = math.absf %sub3A : vector<16xf32>
      %lt3A = arith.constant 0.111111112 : f32
      %lt3A_380 = vector.broadcast %lt3A : f32 to vector<16xf32>
      %lt3A_381 = arith.cmpf olt, %abs3A, %lt3A_380 : vector<16xf32>
      %mul3A_382 = arith.constant 5.000000e-01 : f32
      %mul3A_383 = vector.broadcast %mul3A_382 : f32 to vector<16xf32>
      %mul3A_384 = arith.mulf %mul3A_383, %abs3A : vector<16xf32>
      %mul3A_385 = arith.mulf %mul3A_384, %abs3A : vector<16xf32>
      %div3A = arith.constant 0.111111112 : f32
      %div3A_386 = vector.broadcast %div3A : f32 to vector<16xf32>
      %div3A_387 = arith.divf %mul3A_385, %div3A_386 : vector<16xf32>
      %sub3A_388 = arith.constant 0.055555556 : f32
      %sub3A_389 = vector.broadcast %sub3A_388 : f32 to vector<16xf32>
      %sub3A_390 = arith.subf %abs3A, %sub3A_389 : vector<16xf32>
      %select_n3A_391 = arith.select %lt3A_381, %div3A_387, %sub3A_390 : vector<16xi1>, vector<16xf32>
      %add3A_392 = arith.addf %scan3A_351, %select_n3A_391 : vector<16xf32>
      scf.yield %add3A_392, %add3A_358 : vector<16xf32>, vector<16xf32>
    }
    %scan3A_283 = arith.constant 8 : i32
    %dma_wait3A_284 = arith.constant 1 : i32
    %dma_wait3A_285 = arith.constant 1 : i32
    %dma_wait3A_286 = arith.constant 0 : i32
    %dma_wait3A_287 = tpu.memref_slice %arg11[%dma_wait3A_285, %dma_wait3A_286] : memref<3x128xf32, #tpu.memory_space<vmem>> -> memref<1x128xf32, #tpu.memory_space<vmem>>
    %dma_wait3A_288 = tpu.memref_squeeze %dma_wait3A_287 : memref<1x128xf32, #tpu.memory_space<vmem>> -> memref<128xf32, #tpu.memory_space<vmem>>
    %dma_wait3A_289 = arith.constant 0 : i32
    %dma_wait3A_290 = tpu.memref_slice %arg10[%dma_wait3A_284, %dma_wait3A_289] : memref<3x128xi32, #tpu.memory_space<vmem>> -> memref<1x128xi32, #tpu.memory_space<vmem>>
    %dma_wait3A_291 = tpu.memref_squeeze %dma_wait3A_290 : memref<1x128xi32, #tpu.memory_space<vmem>> -> memref<128xi32, #tpu.memory_space<vmem>>
    %dma_wait3A_292 = arith.constant 0 : i32
    %dma_wait3A_293 = tpu.memref_slice %arg2[%dma_wait3A_292] : memref<786432xf32, #tpu.memory_space<hbm>> -> memref<786432xf32, #tpu.memory_space<hbm>>
    tpu.wait_indirect_dma semaphore(%arg18 : memref<!tpu.dma_semaphore, #tpu.memory_space<semaphore_mem>>) src(%dma_wait3A_293 : memref<786432xf32, #tpu.memory_space<hbm>>) dst(%dma_wait3A_288 : memref<128xf32, #tpu.memory_space<vmem>>)
    %scan3A_294 = arith.constant 0 : i32
    %scan3A_295 = arith.constant 8 : i32
    %scan3A_296 = arith.addi %scan3A_294, %scan3A_295 : i32
    %scan3A_297 = arith.constant 1 : i32
    %scan3A_298 = scf.for %scan3A_350 = %scan3A_294 to %scan3A_296 step %scan3A_297 iter_args(%scan3A_351 = %broadcast_in_dim3A_268) -> (vector<16xf32>)  : i32 {
      %mul3A_352 = arith.constant 16 : i32
      %mul3A_353 = arith.muli %scan3A_350, %mul3A_352 : i32
      %get3A_354 = arith.index_cast %mul3A_353 : i32 to index
      %get3A_355 = tpu.vector_load %arg8[%get3A_354] {strides = array<i32>} : memref<128xi32, #tpu.memory_space<vmem>>, vector<16xi32>,
      %convert_element_type3A_356 = arith.sitofp %get3A_355 : vector<16xi32> to vector<16xf32>
      %iota3A_357 = tpu.iota {dimensions = array<i32: 0>} : vector<16xi32>
      %mul3A_358 = arith.constant 16 : i32
      %mul3A_359 = arith.muli %scan3A_350, %mul3A_358 : i32
      %add3A_360 = vector.broadcast %mul3A_359 : i32 to vector<16xi32>
      %add3A_361 = arith.addi %iota3A_357, %add3A_360 : vector<16xi32>
      %mul3A_362 = arith.constant 16 : i32
      %mul3A_363 = arith.muli %scan3A_350, %mul3A_362 : i32
      %get3A_364 = arith.constant 1 : i32
      %get3A_365 = arith.index_cast %get3A_364 : i32 to index
      %get3A_366 = arith.index_cast %mul3A_363 : i32 to index
      %get3A_367 = tpu.vector_load %arg11[%get3A_365, %get3A_366] {strides = array<i32>} : memref<3x128xf32, #tpu.memory_space<vmem>>, vector<16xf32>,
      %broadcast_in_dim3A_368 = arith.constant 1 : i32
      %broadcast_in_dim3A_369 = vector.broadcast %broadcast_in_dim3A_368 : i32 to vector<16xi32>
      %gather3A = tpu.vector_load_idx %arg9[%add3A_361, %broadcast_in_dim3A_369] : memref<128x3xf32, #tpu.memory_space<vmem>>[vector<16xi32>, vector<16xi32>], vector<16xf32>,
      %eq3A_370 = arith.cmpf oeq, %gather3A, %gather3A : vector<16xf32>
      %jit3A = arith.constant 1.000000e+00 : f32
      %jit3A_371 = arith.constant 0.000000e+00 : f32
      %broadcast_in_dim3A_372 = vector.broadcast %jit3A : f32 to vector<16xf32>
      %broadcast_in_dim3A_373 = vector.broadcast %jit3A_371 : f32 to vector<16xf32>
      %select_n3A_374 = arith.select %eq3A_370, %broadcast_in_dim3A_372, %broadcast_in_dim3A_373 : vector<16xi1>, vector<16xf32>
      %mul3A_375 = arith.mulf %convert_element_type3A_356, %select_n3A_374 : vector<16xf32>
      %mul3A_376 = arith.mulf %get3A_367, %mul3A_375 : vector<16xf32>
      %mul3A_377 = arith.mulf %gather3A, %mul3A_375 : vector<16xf32>
      %sub3A = arith.subf %mul3A_376, %mul3A_377 : vector<16xf32>
      %abs3A = math.absf %sub3A : vector<16xf32>
      %lt3A = arith.constant 0.111111112 : f32
      %lt3A_378 = vector.broadcast %lt3A : f32 to vector<16xf32>
      %lt3A_379 = arith.cmpf olt, %abs3A, %lt3A_378 : vector<16xf32>
      %mul3A_380 = arith.constant 5.000000e-01 : f32
      %mul3A_381 = vector.broadcast %mul3A_380 : f32 to vector<16xf32>
      %mul3A_382 = arith.mulf %mul3A_381, %abs3A : vector<16xf32>
      %mul3A_383 = arith.mulf %mul3A_382, %abs3A : vector<16xf32>
      %div3A = arith.constant 0.111111112 : f32
      %div3A_384 = vector.broadcast %div3A : f32 to vector<16xf32>
      %div3A_385 = arith.divf %mul3A_383, %div3A_384 : vector<16xf32>
      %sub3A_386 = arith.constant 0.055555556 : f32
      %sub3A_387 = vector.broadcast %sub3A_386 : f32 to vector<16xf32>
      %sub3A_388 = arith.subf %abs3A, %sub3A_387 : vector<16xf32>
      %select_n3A_389 = arith.select %lt3A_379, %div3A_385, %sub3A_388 : vector<16xi1>, vector<16xf32>
      %add3A_390 = arith.addf %scan3A_351, %select_n3A_389 : vector<16xf32>
      scf.yield %add3A_390 : vector<16xf32>
    }
    %scan3A_299 = arith.constant 8 : i32
    %dma_wait3A_300 = arith.constant 2 : i32
    %dma_wait3A_301 = arith.constant 2 : i32
    %dma_wait3A_302 = arith.constant 0 : i32
    %dma_wait3A_303 = tpu.memref_slice %arg11[%dma_wait3A_301, %dma_wait3A_302] : memref<3x128xf32, #tpu.memory_space<vmem>> -> memref<1x128xf32, #tpu.memory_space<vmem>>
    %dma_wait3A_304 = tpu.memref_squeeze %dma_wait3A_303 : memref<1x128xf32, #tpu.memory_space<vmem>> -> memref<128xf32, #tpu.memory_space<vmem>>
    %dma_wait3A_305 = arith.constant 0 : i32
    %dma_wait3A_306 = tpu.memref_slice %arg10[%dma_wait3A_300, %dma_wait3A_305] : memref<3x128xi32, #tpu.memory_space<vmem>> -> memref<1x128xi32, #tpu.memory_space<vmem>>
    %dma_wait3A_307 = tpu.memref_squeeze %dma_wait3A_306 : memref<1x128xi32, #tpu.memory_space<vmem>> -> memref<128xi32, #tpu.memory_space<vmem>>
    %dma_wait3A_308 = arith.constant 0 : i32
    %dma_wait3A_309 = tpu.memref_slice %arg2[%dma_wait3A_308] : memref<786432xf32, #tpu.memory_space<hbm>> -> memref<786432xf32, #tpu.memory_space<hbm>>
    tpu.wait_indirect_dma semaphore(%arg19 : memref<!tpu.dma_semaphore, #tpu.memory_space<semaphore_mem>>) src(%dma_wait3A_309 : memref<786432xf32, #tpu.memory_space<hbm>>) dst(%dma_wait3A_304 : memref<128xf32, #tpu.memory_space<vmem>>)
    %scan3A_310 = arith.constant 0 : i32
    %scan3A_311 = arith.constant 8 : i32
    %scan3A_312 = arith.addi %scan3A_310, %scan3A_311 : i32
    %scan3A_313 = arith.constant 1 : i32
    %scan3A_314 = scf.for %scan3A_350 = %scan3A_310 to %scan3A_312 step %scan3A_313 iter_args(%scan3A_351 = %broadcast_in_dim3A_268) -> (vector<16xf32>)  : i32 {
      %mul3A_352 = arith.constant 16 : i32
      %mul3A_353 = arith.muli %scan3A_350, %mul3A_352 : i32
      %get3A_354 = arith.index_cast %mul3A_353 : i32 to index
      %get3A_355 = tpu.vector_load %arg8[%get3A_354] {strides = array<i32>} : memref<128xi32, #tpu.memory_space<vmem>>, vector<16xi32>,
      %convert_element_type3A_356 = arith.sitofp %get3A_355 : vector<16xi32> to vector<16xf32>
      %iota3A_357 = tpu.iota {dimensions = array<i32: 0>} : vector<16xi32>
      %mul3A_358 = arith.constant 16 : i32
      %mul3A_359 = arith.muli %scan3A_350, %mul3A_358 : i32
      %add3A_360 = vector.broadcast %mul3A_359 : i32 to vector<16xi32>
      %add3A_361 = arith.addi %iota3A_357, %add3A_360 : vector<16xi32>
      %mul3A_362 = arith.constant 16 : i32
      %mul3A_363 = arith.muli %scan3A_350, %mul3A_362 : i32
      %get3A_364 = arith.constant 2 : i32
      %get3A_365 = arith.index_cast %get3A_364 : i32 to index
      %get3A_366 = arith.index_cast %mul3A_363 : i32 to index
      %get3A_367 = tpu.vector_load %arg11[%get3A_365, %get3A_366] {strides = array<i32>} : memref<3x128xf32, #tpu.memory_space<vmem>>, vector<16xf32>,
      %broadcast_in_dim3A_368 = arith.constant 2 : i32
      %broadcast_in_dim3A_369 = vector.broadcast %broadcast_in_dim3A_368 : i32 to vector<16xi32>
      %gather3A = tpu.vector_load_idx %arg9[%add3A_361, %broadcast_in_dim3A_369] : memref<128x3xf32, #tpu.memory_space<vmem>>[vector<16xi32>, vector<16xi32>], vector<16xf32>,
      %eq3A_370 = arith.cmpf oeq, %gather3A, %gather3A : vector<16xf32>
      %jit3A = arith.constant 1.000000e+00 : f32
      %jit3A_371 = arith.constant 0.000000e+00 : f32
      %broadcast_in_dim3A_372 = vector.broadcast %jit3A : f32 to vector<16xf32>
      %broadcast_in_dim3A_373 = vector.broadcast %jit3A_371 : f32 to vector<16xf32>
      %select_n3A_374 = arith.select %eq3A_370, %broadcast_in_dim3A_372, %broadcast_in_dim3A_373 : vector<16xi1>, vector<16xf32>
      %mul3A_375 = arith.mulf %convert_element_type3A_356, %select_n3A_374 : vector<16xf32>
      %mul3A_376 = arith.mulf %get3A_367, %mul3A_375 : vector<16xf32>
      %mul3A_377 = arith.mulf %gather3A, %mul3A_375 : vector<16xf32>
      %sub3A = arith.subf %mul3A_376, %mul3A_377 : vector<16xf32>
      %abs3A = math.absf %sub3A : vector<16xf32>
      %lt3A = arith.constant 0.111111112 : f32
      %lt3A_378 = vector.broadcast %lt3A : f32 to vector<16xf32>
      %lt3A_379 = arith.cmpf olt, %abs3A, %lt3A_378 : vector<16xf32>
      %mul3A_380 = arith.constant 5.000000e-01 : f32
      %mul3A_381 = vector.broadcast %mul3A_380 : f32 to vector<16xf32>
      %mul3A_382 = arith.mulf %mul3A_381, %abs3A : vector<16xf32>
      %mul3A_383 = arith.mulf %mul3A_382, %abs3A : vector<16xf32>
      %div3A = arith.constant 0.111111112 : f32
      %div3A_384 = vector.broadcast %div3A : f32 to vector<16xf32>
      %div3A_385 = arith.divf %mul3A_383, %div3A_384 : vector<16xf32>
      %sub3A_386 = arith.constant 0.055555556 : f32
      %sub3A_387 = vector.broadcast %sub3A_386 : f32 to vector<16xf32>
      %sub3A_388 = arith.subf %abs3A, %sub3A_387 : vector<16xf32>
      %select_n3A_389 = arith.select %lt3A_379, %div3A_385, %sub3A_388 : vector<16xi1>, vector<16xf32>
      %add3A_390 = arith.addf %scan3A_351, %select_n3A_389 : vector<16xf32>
      scf.yield %add3A_390 : vector<16xf32>
    }
    %scan3A_315 = arith.constant 8 : i32
    %iota3A = tpu.iota {dimensions = array<i32: 0>} : vector<16xi32>
    %reduce_sum3A = arith.constant true
    %reduce_sum3A_316 = vector.broadcast %reduce_sum3A : i1 to vector<16xi1>
    %reduce_sum3A_317 = tpu.scan <sum>, %scan3A_282#0 masked %reduce_sum3A_316 : vector<16xf32>, vector<16xi1> -> vector<16xf32>
    %reduce_sum3A_318 = vector.extract %reduce_sum3A_317[15] : f32 from vector<16xf32>
    %reduce_sum3A_319 = arith.constant true
    %reduce_sum3A_320 = vector.broadcast %reduce_sum3A_319 : i1 to vector<16xi1>
    %reduce_sum3A_321 = tpu.scan <sum>, %scan3A_298 masked %reduce_sum3A_320 : vector<16xf32>, vector<16xi1> -> vector<16xf32>
    %reduce_sum3A_322 = vector.extract %reduce_sum3A_321[15] : f32 from vector<16xf32>
    %reduce_sum3A_323 = arith.constant true
    %reduce_sum3A_324 = vector.broadcast %reduce_sum3A_323 : i1 to vector<16xi1>
    %reduce_sum3A_325 = tpu.scan <sum>, %scan3A_314 masked %reduce_sum3A_324 : vector<16xf32>, vector<16xi1> -> vector<16xf32>
    %reduce_sum3A_326 = vector.extract %reduce_sum3A_325[15] : f32 from vector<16xf32>
    %reduce_sum3A_327 = arith.constant true
    %reduce_sum3A_328 = vector.broadcast %reduce_sum3A_327 : i1 to vector<16xi1>
    %reduce_sum3A_329 = tpu.scan <sum>, %scan3A_282#1 masked %reduce_sum3A_328 : vector<16xf32>, vector<16xi1> -> vector<16xf32>
    %reduce_sum3A_330 = vector.extract %reduce_sum3A_329[15] : f32 from vector<16xf32>
    %eq3A = arith.constant 0 : i32
    %eq3A_331 = vector.broadcast %eq3A : i32 to vector<16xi32>
    %eq3A_332 = arith.cmpi eq, %iota3A, %eq3A_331 : vector<16xi32>
    %eq3A_333 = arith.constant 1 : i32
    %eq3A_334 = vector.broadcast %eq3A_333 : i32 to vector<16xi32>
    %eq3A_335 = arith.cmpi eq, %iota3A, %eq3A_334 : vector<16xi32>
    %eq3A_336 = arith.constant 2 : i32
    %eq3A_337 = vector.broadcast %eq3A_336 : i32 to vector<16xi32>
    %eq3A_338 = arith.cmpi eq, %iota3A, %eq3A_337 : vector<16xi32>
    %broadcast_in_dim3A_339 = vector.broadcast %reduce_sum3A_326 : f32 to vector<16xf32>
    %broadcast_in_dim3A_340 = vector.broadcast %reduce_sum3A_330 : f32 to vector<16xf32>
    %select_n3A = arith.select %eq3A_338, %broadcast_in_dim3A_339, %broadcast_in_dim3A_340 : vector<16xi1>, vector<16xf32>
    %broadcast_in_dim3A_341 = vector.broadcast %reduce_sum3A_322 : f32 to vector<16xf32>
    %select_n3A_342 = arith.select %eq3A_335, %broadcast_in_dim3A_341, %select_n3A : vector<16xi1>, vector<16xf32>
    %broadcast_in_dim3A_343 = vector.broadcast %reduce_sum3A_318 : f32 to vector<16xf32>
    %select_n3A_344 = arith.select %eq3A_332, %broadcast_in_dim3A_343, %select_n3A_342 : vector<16xi1>, vector<16xf32>
    %swap3A_345 = arith.constant 0 : index
    %swap3A_346 = tpu.vector_load %arg12[%swap3A_345] {strides = array<i32>} : memref<16xf32, #tpu.memory_space<vmem>>, vector<16xf32>,
    tpu.vector_store %arg12[%swap3A_345], %select_n3A_344 {strides = array<i32>} : memref<16xf32, #tpu.memory_space<vmem>>, vector<16xf32>,
    "tpu.region"() ({
      %run_scoped3A = tpu.sem_alloc : memref<!tpu.dma_semaphore, #tpu.memory_space<semaphore_mem>>
      %dma_start3A_350 = arith.constant 0 : i32
      %dma_start3A_351 = tpu.memref_slice %arg14[%arg1, %dma_start3A_350] : memref<16x16xf32, #tpu.memory_space<hbm>> -> memref<1x16xf32, #tpu.memory_space<hbm>>
      %dma_start3A_352 = tpu.memref_squeeze %dma_start3A_351 : memref<1x16xf32, #tpu.memory_space<hbm>> -> memref<16xf32, #tpu.memory_space<hbm>>
      %dma_start3A_353 = arith.constant 0 : i32
      %dma_start3A_354 = tpu.memref_slice %arg14[%arg1, %dma_start3A_353] : memref<16x16xf32, #tpu.memory_space<hbm>> -> memref<1x16xf32, #tpu.memory_space<hbm>>
      %dma_start3A_355 = tpu.memref_squeeze %dma_start3A_354 : memref<1x16xf32, #tpu.memory_space<hbm>> -> memref<16xf32, #tpu.memory_space<hbm>>
      tpu.enqueue_dma source(%arg12 : memref<16xf32, #tpu.memory_space<vmem>>) target(%dma_start3A_355 : memref<16xf32, #tpu.memory_space<hbm>>) target_semaphore(%run_scoped3A : memref<!tpu.dma_semaphore, #tpu.memory_space<semaphore_mem>>)
      %dma_wait3A_356 = arith.constant 0 : i32
      %dma_wait3A_357 = tpu.memref_slice %arg14[%arg1, %dma_wait3A_356] : memref<16x16xf32, #tpu.memory_space<hbm>> -> memref<1x16xf32, #tpu.memory_space<hbm>>
      %dma_wait3A_358 = tpu.memref_squeeze %dma_wait3A_357 : memref<1x16xf32, #tpu.memory_space<hbm>> -> memref<16xf32, #tpu.memory_space<hbm>>
      %dma_wait3A_359 = arith.constant 0 : i32
      %dma_wait3A_360 = tpu.memref_slice %arg14[%arg1, %dma_wait3A_359] : memref<16x16xf32, #tpu.memory_space<hbm>> -> memref<1x16xf32, #tpu.memory_space<hbm>>
      %dma_wait3A_361 = tpu.memref_squeeze %dma_wait3A_360 : memref<1x16xf32, #tpu.memory_space<hbm>> -> memref<16xf32, #tpu.memory_space<hbm>>
      tpu.wait_dma2 semaphore(%run_scoped3A : memref<!tpu.dma_semaphore, #tpu.memory_space<semaphore_mem>>) src(%arg12 : memref<16xf32, #tpu.memory_space<vmem>>) dst(%dma_wait3A_361 : memref<16xf32, #tpu.memory_space<hbm>>)
      tpu.yield
    }) : () -> ()
    %barrier3A = arith.constant 0 : index
    tpu.barrier barrier_id(%barrier3A)
    %eq3A_347 = arith.constant 0 : i32
    %eq3A_348 = arith.cmpi eq, %arg1, %eq3A_347 : i32
    %convert_element_type3A = arith.extui %eq3A_348 : i1 to i32
    %cond3A = arith.constant 0 : i32
    %cond3A_349 = arith.cmpi ne, %convert_element_type3A, %cond3A : i32
    scf.if %cond3A_349 {
      "tpu.region"() ({
        %run_scoped3A = tpu.sem_alloc : memref<!tpu.dma_semaphore, #tpu.memory_space<semaphore_mem>>
        tpu.enqueue_dma source(%arg14 : memref<16x16xf32, #tpu.memory_space<hbm>>) target(%arg15 : memref<16x16xf32, #tpu.memory_space<vmem>>) target_semaphore(%run_scoped3A : memref<!tpu.dma_semaphore, #tpu.memory_space<semaphore_mem>>)
        tpu.wait_dma2 semaphore(%run_scoped3A : memref<!tpu.dma_semaphore, #tpu.memory_space<semaphore_mem>>) src(%arg14 : memref<16x16xf32, #tpu.memory_space<hbm>>) dst(%arg15 : memref<16x16xf32, #tpu.memory_space<vmem>>)
        tpu.yield
      }) : () -> ()
      %broadcast_in_dim3A_350 = arith.constant 0.000000e+00 : f32
      %broadcast_in_dim3A_351 = vector.broadcast %broadcast_in_dim3A_350 : f32 to vector<16xf32>
      %get3A_352 = arith.constant 0 : i32
      %get3A_353 = arith.index_cast %get3A_352 : i32 to index
      %get3A_354 = arith.constant 0 : index
      %get3A_355 = tpu.vector_load %arg15[%get3A_353, %get3A_354] {strides = array<i32>} : memref<16x16xf32, #tpu.memory_space<vmem>>, vector<16xf32>,
      %add3A_356 = arith.addf %broadcast_in_dim3A_351, %get3A_355 : vector<16xf32>
      %get3A_357 = arith.constant 1 : i32
      %get3A_358 = arith.index_cast %get3A_357 : i32 to index
      %get3A_359 = arith.constant 0 : index
      %get3A_360 = tpu.vector_load %arg15[%get3A_358, %get3A_359] {strides = array<i32>} : memref<16x16xf32, #tpu.memory_space<vmem>>, vector<16xf32>,
      %add3A_361 = arith.addf %add3A_356, %get3A_360 : vector<16xf32>
      %get3A_362 = arith.constant 2 : i32
      %get3A_363 = arith.index_cast %get3A_362 : i32 to index
      %get3A_364 = arith.constant 0 : index
      %get3A_365 = tpu.vector_load %arg15[%get3A_363, %get3A_364] {strides = array<i32>} : memref<16x16xf32, #tpu.memory_space<vmem>>, vector<16xf32>,
      %add3A_366 = arith.addf %add3A_361, %get3A_365 : vector<16xf32>
      %get3A_367 = arith.constant 3 : i32
      %get3A_368 = arith.index_cast %get3A_367 : i32 to index
      %get3A_369 = arith.constant 0 : index
      %get3A_370 = tpu.vector_load %arg15[%get3A_368, %get3A_369] {strides = array<i32>} : memref<16x16xf32, #tpu.memory_space<vmem>>, vector<16xf32>,
      %add3A_371 = arith.addf %add3A_366, %get3A_370 : vector<16xf32>
      %get3A_372 = arith.constant 4 : i32
      %get3A_373 = arith.index_cast %get3A_372 : i32 to index
      %get3A_374 = arith.constant 0 : index
      %get3A_375 = tpu.vector_load %arg15[%get3A_373, %get3A_374] {strides = array<i32>} : memref<16x16xf32, #tpu.memory_space<vmem>>, vector<16xf32>,
      %add3A_376 = arith.addf %add3A_371, %get3A_375 : vector<16xf32>
      %get3A_377 = arith.constant 5 : i32
      %get3A_378 = arith.index_cast %get3A_377 : i32 to index
      %get3A_379 = arith.constant 0 : index
      %get3A_380 = tpu.vector_load %arg15[%get3A_378, %get3A_379] {strides = array<i32>} : memref<16x16xf32, #tpu.memory_space<vmem>>, vector<16xf32>,
      %add3A_381 = arith.addf %add3A_376, %get3A_380 : vector<16xf32>
      %get3A_382 = arith.constant 6 : i32
      %get3A_383 = arith.index_cast %get3A_382 : i32 to index
      %get3A_384 = arith.constant 0 : index
      %get3A_385 = tpu.vector_load %arg15[%get3A_383, %get3A_384] {strides = array<i32>} : memref<16x16xf32, #tpu.memory_space<vmem>>, vector<16xf32>,
      %add3A_386 = arith.addf %add3A_381, %get3A_385 : vector<16xf32>
      %get3A_387 = arith.constant 7 : i32
      %get3A_388 = arith.index_cast %get3A_387 : i32 to index
      %get3A_389 = arith.constant 0 : index
      %get3A_390 = tpu.vector_load %arg15[%get3A_388, %get3A_389] {strides = array<i32>} : memref<16x16xf32, #tpu.memory_space<vmem>>, vector<16xf32>,
      %add3A_391 = arith.addf %add3A_386, %get3A_390 : vector<16xf32>
      %get3A_392 = arith.constant 8 : i32
      %get3A_393 = arith.index_cast %get3A_392 : i32 to index
      %get3A_394 = arith.constant 0 : index
      %get3A_395 = tpu.vector_load %arg15[%get3A_393, %get3A_394] {strides = array<i32>} : memref<16x16xf32, #tpu.memory_space<vmem>>, vector<16xf32>,
      %add3A_396 = arith.addf %add3A_391, %get3A_395 : vector<16xf32>
      %get3A_397 = arith.constant 9 : i32
      %get3A_398 = arith.index_cast %get3A_397 : i32 to index
      %get3A_399 = arith.constant 0 : index
      %get3A_400 = tpu.vector_load %arg15[%get3A_398, %get3A_399] {strides = array<i32>} : memref<16x16xf32, #tpu.memory_space<vmem>>, vector<16xf32>,
      %add3A_401 = arith.addf %add3A_396, %get3A_400 : vector<16xf32>
      %get3A_402 = arith.constant 10 : i32
      %get3A_403 = arith.index_cast %get3A_402 : i32 to index
      %get3A_404 = arith.constant 0 : index
      %get3A_405 = tpu.vector_load %arg15[%get3A_403, %get3A_404] {strides = array<i32>} : memref<16x16xf32, #tpu.memory_space<vmem>>, vector<16xf32>,
      %add3A_406 = arith.addf %add3A_401, %get3A_405 : vector<16xf32>
      %get3A_407 = arith.constant 11 : i32
      %get3A_408 = arith.index_cast %get3A_407 : i32 to index
      %get3A_409 = arith.constant 0 : index
      %get3A_410 = tpu.vector_load %arg15[%get3A_408, %get3A_409] {strides = array<i32>} : memref<16x16xf32, #tpu.memory_space<vmem>>, vector<16xf32>,
      %add3A_411 = arith.addf %add3A_406, %get3A_410 : vector<16xf32>
      %get3A_412 = arith.constant 12 : i32
      %get3A_413 = arith.index_cast %get3A_412 : i32 to index
      %get3A_414 = arith.constant 0 : index
      %get3A_415 = tpu.vector_load %arg15[%get3A_413, %get3A_414] {strides = array<i32>} : memref<16x16xf32, #tpu.memory_space<vmem>>, vector<16xf32>,
      %add3A_416 = arith.addf %add3A_411, %get3A_415 : vector<16xf32>
      %get3A_417 = arith.constant 13 : i32
      %get3A_418 = arith.index_cast %get3A_417 : i32 to index
      %get3A_419 = arith.constant 0 : index
      %get3A_420 = tpu.vector_load %arg15[%get3A_418, %get3A_419] {strides = array<i32>} : memref<16x16xf32, #tpu.memory_space<vmem>>, vector<16xf32>,
      %add3A_421 = arith.addf %add3A_416, %get3A_420 : vector<16xf32>
      %get3A_422 = arith.constant 14 : i32
      %get3A_423 = arith.index_cast %get3A_422 : i32 to index
      %get3A_424 = arith.constant 0 : index
      %get3A_425 = tpu.vector_load %arg15[%get3A_423, %get3A_424] {strides = array<i32>} : memref<16x16xf32, #tpu.memory_space<vmem>>, vector<16xf32>,
      %add3A_426 = arith.addf %add3A_421, %get3A_425 : vector<16xf32>
      %get3A_427 = arith.constant 15 : i32
      %get3A_428 = arith.index_cast %get3A_427 : i32 to index
      %get3A_429 = arith.constant 0 : index
      %get3A_430 = tpu.vector_load %arg15[%get3A_428, %get3A_429] {strides = array<i32>} : memref<16x16xf32, #tpu.memory_space<vmem>>, vector<16xf32>,
      %add3A_431 = arith.addf %add3A_426, %get3A_430 : vector<16xf32>
      %eq3A_432 = arith.constant 3 : i32
      %eq3A_433 = vector.broadcast %eq3A_432 : i32 to vector<16xi32>
      %eq3A_434 = arith.cmpi eq, %iota3A, %eq3A_433 : vector<16xi32>
      %jit3A = arith.constant 0.000000e+00 : f32
      %broadcast_in_dim3A_435 = vector.broadcast %jit3A : f32 to vector<16xf32>
      %select_n3A_436 = arith.select %eq3A_434, %add3A_431, %broadcast_in_dim3A_435 : vector<16xi1>, vector<16xf32>
      %reduce_sum3A_437 = arith.constant true
      %reduce_sum3A_438 = vector.broadcast %reduce_sum3A_437 : i1 to vector<16xi1>
      %reduce_sum3A_439 = tpu.scan <sum>, %select_n3A_436 masked %reduce_sum3A_438 : vector<16xf32>, vector<16xi1> -> vector<16xf32>
      %reduce_sum3A_440 = vector.extract %reduce_sum3A_439[15] : f32 from vector<16xf32>
      %add3A_441 = arith.constant 9.99999974E-5 : f32
      %add3A_442 = arith.addf %reduce_sum3A_440, %add3A_441 : f32
      %broadcast_in_dim3A_443 = vector.broadcast %add3A_442 : f32 to vector<16xf32>
      %div3A = arith.divf %add3A_431, %broadcast_in_dim3A_443 : vector<16xf32>
      %swap3A_444 = arith.constant 0 : index
      %swap3A_445 = tpu.vector_load %arg13[%swap3A_444] {strides = array<i32>} : memref<16xf32, #tpu.memory_space<vmem>>, vector<16xf32>,
      tpu.vector_store %arg13[%swap3A_444], %div3A {strides = array<i32>} : memref<16xf32, #tpu.memory_space<vmem>>, vector<16xf32>,
      "tpu.region"() ({
        %run_scoped3A = tpu.sem_alloc : memref<!tpu.dma_semaphore, #tpu.memory_space<semaphore_mem>>
        %dma_start3A_446 = arith.constant 0 : i32
        %dma_start3A_447 = tpu.memref_slice %arg13[%dma_start3A_446] : memref<16xf32, #tpu.memory_space<vmem>> -> memref<3xf32, #tpu.memory_space<vmem>>
        %dma_start3A_448 = arith.constant 0 : i32
        %dma_start3A_449 = tpu.memref_slice %arg13[%dma_start3A_448] : memref<16xf32, #tpu.memory_space<vmem>> -> memref<3xf32, #tpu.memory_space<vmem>>
        tpu.enqueue_dma source(%dma_start3A_449 : memref<3xf32, #tpu.memory_space<vmem>>) target(%arg6 : memref<3xf32, #tpu.memory_space<hbm>>) target_semaphore(%run_scoped3A : memref<!tpu.dma_semaphore, #tpu.memory_space<semaphore_mem>>)
        %dma_wait3A_450 = arith.constant 0 : i32
        %dma_wait3A_451 = tpu.memref_slice %arg13[%dma_wait3A_450] : memref<16xf32, #tpu.memory_space<vmem>> -> memref<3xf32, #tpu.memory_space<vmem>>
        %dma_wait3A_452 = arith.constant 0 : i32
        %dma_wait3A_453 = tpu.memref_slice %arg13[%dma_wait3A_452] : memref<16xf32, #tpu.memory_space<vmem>> -> memref<3xf32, #tpu.memory_space<vmem>>
        tpu.wait_dma2 semaphore(%run_scoped3A : memref<!tpu.dma_semaphore, #tpu.memory_space<semaphore_mem>>) src(%dma_wait3A_453 : memref<3xf32, #tpu.memory_space<vmem>>) dst(%arg6 : memref<3xf32, #tpu.memory_space<hbm>>)
        tpu.yield
      }) : () -> ()
    } else {
    }
    return
  }
}

</mosaic_0001>

<sc_bundles>
// kernel: _run.3.cloned.1.call-start
scs
__scs_entry_jumppad:
0x0: {  	(pc) =	sbr.rel $0x88, $3  }
0x1: {  	(tag) =	ssettag $0x0;
	lr =	simm.s32 $0x1  }
0x2: {  	[smem:$0x3F9D] =	sst lr;
	_ =	strace $0xD0000000  }
0x3: {  	_ = 	snop  }
0x4: {  	_ = 	snop  }
0x5: {  	_ = 	snop  }
0x6: {  	_ = 	snop  }
0x7: {  	_ = 	snop  }
__scs_overlays_trampoline_lowered:
0x8: {  	[smem:$0x3FAC] =	sst s0  }
0x9: {  	[smem:$0x3FAD] =	sst s1  }
0xa: {  	[smem:$0x3FAE] =	sst s2  }
0xb: {  	[smem:$0x3FAF] =	sst s3  }
0xc: {  	[smem:$0x3FB0] =	sst s4  }
0xd: {  	[smem:$0x3FB1] =	sst s5  }
0xe: {  	[smem:$0x3FB2] =	sst s6  }
0xf: {  	[smem:$0x3FB3] =	sst s7  }
0x10: {  	[smem:$0x3FB4] =	sst s8  }
0x11: {  	[smem:$0x3FB5] =	sst s9;
	s0 =	simm.s32 @!p0 $0x0  }
0x12: {  	s1 =	sld [smem:$0x3F9B];
	s0 =	simm.s32 @p0 $0x1  }
0x13: {  	[smem:$0x3FB6] =	sst s0;
	s0 =	simm.s32 @!p1 $0x0  }
0x14: {  	s2 =	sld [smem:$0x3F9A];
	s0 =	simm.s32 @p1 $0x1  }
0x15: {  	[smem:$0x3FB7] =	sst s0;
	s0 =	simm.s32 @!p2 $0x0  }
0x16: {  	s3 =	sld [smem:$0x3FDB];
	s0 =	simm.s32 @p2 $0x1  }
0x17: {  	s4 =	simm.s32 $0x1BF5;
	[smem:$0x3FB9] =	sst s0  }
0x18: {  	s0 =	sld [smem:$0x3F9C];
	_ =	swait.ge [sflag:s4], $0x0  }
0x19: {  	s7 =	sld [smem:$0x3F9D]  }
0x1a: {  	s8 =	sadd.s32 $0xFFFFE003, lr  }
0x1b: {  	s9 =	sadd.s32 $0xFFFFFEF7, lr;
	s5 =	simm.s32 $0xFFFFFFFF;
	p2 =	slt.u32 s8, $0xFFFFF086  }
0x1c: {  	p1 =	slt.u32 s9, $0xF7A;
	s5 =	simm.s32 @!p2 $0x0  }
0x1d: {  	s5 =	simm.s32 @p1 $0x1;
	p0 =	seq.s32 s7, s2  }
0x1e: {  	s7 =	smul.u32 @!p0 $0xF7A, s2;
	p2 =	seq.s32 @!p0 s5, $0x0  }
0x1f: {  	s9 =	smul.u32 $0xF7A, s1;
	s8 =	simm.s32 @!p0 $0x1BF5;
	p2 =	por !p2, p0  }
0x20: {  	[sflag:s8] =	ssyncset.s32 @!p0 $0xFFFFF086;
	s6 =	sadd.s32 @!p0 s3, s7;
	s7 =	simm.s32 @!p0 $0x108  }
0x21: {  	s3 =	sadd.s32 s3, s9;
	s6 =	sadd.s32 @!p0 $0x88, s6;
	s7 =	simm.s32 @p2 $0x1082  }
0x22: {  	[simem:s7], [sflag:s8] =	dma.local @!p0 [hbm:s6], $0xF7A  }
0x23: {  	s9 =	sor.u32 $0xD0000000, s2;
	s6 =	simm.s32 $0x108;
	_ =	swait.ge @!p0 [sflag:s8], $0x0  }
0x24: {  	s3 =	sadd.s32 $0x88, s3;
	s6 =	simm.s32 @!p1 $0x1082;
	[sflag:s4] =	ssyncset.s32 $0xFFFFF086  }
0x25: {  	[simem:s6], [sflag:s4] =	dma.local [hbm:s3], $0xF7A  }
0x26: {  	[smem:$0x3F9D] =	sst s1;
	(tag) =	ssettag s2;
	_ =	strace s9  }
0x27: {  	s1 =	sld [smem:$0x3FAD]  }
0x28: {  	s2 =	sld [smem:$0x3FAE]  }
0x29: {  	s4 =	sld [smem:$0x3FB0]  }
0x2a: {  	p0 =	seq.s32 s5, $0x0;
	s5 =	sld [smem:$0x3FB1]  }
0x2b: {  	s6 =	sld [smem:$0x3FB2]  }
0x2c: {  	s7 =	sld [smem:$0x3FB3]  }
0x2d: {  	s3 =	simm.s32 $0x108;
	s8 =	sld [smem:$0x3FB4]  }
0x2e: {  	s3 =	simm.s32 @!p0 $0x1082;
	s9 =	sld [smem:$0x3FB5]  }
0x2f: {  	lr =	sadd.s32 s0, s3;
	s0 =	sld [smem:$0x3FAC]  }
0x30: {  	s3 =	sld [smem:$0x3FAF]  }
0x31: {  	[smem:$0x3FB8] =	sst s10  }
0x32: {  	s10 =	sld [smem:$0x3FB6];
	_ =	sdelay $0x3  }
0x33: {  	p0 =	seq.s32 s10, $0x1;
	s10 =	sld [smem:$0x3FB8];
	_ =	sdelay $0x3  }
0x34: {  	[smem:$0x3FB8] =	sst s10  }
0x35: {  	s10 =	sld [smem:$0x3FB7];
	_ =	sdelay $0x3  }
0x36: {  	p1 =	seq.s32 s10, $0x1;
	s10 =	sld [smem:$0x3FB8];
	_ =	sdelay $0x3  }
0x37: {  	[smem:$0x3FB8] =	sst s10  }
0x38: {  	s10 =	sld [smem:$0x3FB9]  }
0x39: {  	_ = 	snop;
	(pc) =	sbr.ind lr, $3  }
0x3a: {  	_ = 	snop  }
0x3b: {  	_ = 	snop  }
0x3c: {  	p2 =	seq.s32 s10, $0x1;
	s10 =	sld [smem:$0x3FB8]  }
0x3d: {  	_ =	shalt  }
0x3e: {  	_ =	shalt  }
0x3f: {  	_ =	shalt  }
0x40: {  	_ =	shalt  }
0x41: {  	_ =	shalt  }
0x42: {  	_ =	shalt  }
0x43: {  	_ =	shalt  }
0x44: {  	_ =	shalt  }
0x45: {  	_ =	shalt  }
0x46: {  	_ =	shalt  }
0x47: {  	_ =	shalt  }
0x48: {  	_ =	shalt  }
0x49: {  	_ =	shalt  }
0x4a: {  	_ =	shalt  }
0x4b: {  	_ =	shalt  }
0x4c: {  	_ =	shalt  }
0x4d: {  	_ =	shalt  }
0x4e: {  	_ =	shalt  }
0x4f: {  	_ =	shalt  }
0x50: {  	_ =	shalt  }
0x51: {  	_ =	shalt  }
0x52: {  	_ =	shalt  }
0x53: {  	_ =	shalt  }
0x54: {  	_ =	shalt  }
0x55: {  	_ =	shalt  }
0x56: {  	_ =	shalt  }
0x57: {  	_ =	shalt  }
0x58: {  	_ =	shalt  }
0x59: {  	_ =	shalt  }
0x5a: {  	_ =	shalt  }
0x5b: {  	_ =	shalt  }
0x5c: {  	_ =	shalt  }
0x5d: {  	_ =	shalt  }
0x5e: {  	_ =	shalt  }
0x5f: {  	_ =	shalt  }
0x60: {  	_ =	shalt  }
0x61: {  	_ =	shalt  }
0x62: {  	_ =	shalt  }
0x63: {  	_ =	shalt  }
0x64: {  	_ =	shalt  }
0x65: {  	_ =	shalt  }
0x66: {  	_ =	shalt  }
0x67: {  	_ =	shalt  }
0x68: {  	_ =	shalt  }
0x69: {  	_ =	shalt  }
0x6a: {  	_ =	shalt  }
0x6b: {  	_ =	shalt  }
0x6c: {  	_ =	shalt  }
0x6d: {  	_ =	shalt  }
0x6e: {  	_ =	shalt  }
0x6f: {  	_ =	shalt  }
0x70: {  	_ =	shalt  }
0x71: {  	_ =	shalt  }
0x72: {  	_ =	shalt  }
0x73: {  	_ =	shalt  }
0x74: {  	_ =	shalt  }
0x75: {  	_ =	shalt  }
0x76: {  	_ =	shalt  }
0x77: {  	_ =	shalt  }
0x78: {  	_ =	shalt  }
0x79: {  	_ =	shalt  }
0x7a: {  	_ =	shalt  }
0x7b: {  	_ =	shalt  }
0x7c: {  	_ =	shalt  }
0x7d: {  	_ =	shalt  }
0x7e: {  	_ =	shalt  }
0x7f: {  	_ =	shalt  }
0x80: {  	_ =	shalt  }
0x81: {  	_ =	shalt  }
0x82: {  	_ =	shalt  }
0x83: {  	_ =	shalt  }
0x84: {  	_ =	shalt  }
0x85: {  	_ =	shalt  }
0x86: {  	_ =	shalt  }
0x87: {  	_ =	shalt  }
.Lfunc_end0:
.L_simem_size_0:
called_computation_lowered:
.L_overlay_start_0:
0x88: {  	s0 =	sld [smem:$0x3FD9]  }
0x89: {  	s1 =	sld [smem:$0x3FFE];
	_ =	sdelay $0x3  }
0x8a: {  	s0 =	sadd.s32 s1, s0  }
0x8b: {  	[smem:$0x3FC4] =	sst s0  }
0x8c: {  	_ = 	snop  }
0x8d: {  	s16 =	sld [smem:$0x3FC9]  }
0x8e: {  	s2 =	sld [smem:$0x3FC8]  }
0x8f: {  	s3 =	sld [smem:$0x3FC7]  }
0x90: {  	s4 =	sld [smem:$0x3FD0];
	(tm) =	ssettm $0x1  }
0x91: {  	s5 =	sld [smem:$0x3FFB];
	_ =	sdelay $0x3  }
0x92: {  	_ =	strace s5  }
0x93: {  	s5 =	sld [smem:$0x3FFC];
	_ =	sdelay $0x3  }
0x94: {  	_ =	strace s5  }
0x95: {  	s5 =	sld [smem:$0x3FFD];
	_ =	sdelay $0x3  }
0x96: {  	_ =	strace s5  }
0x97: {  	_ =	strace $0x8FFFFFFF  }
0x98: {  	s17 =	sld [smem:$0x3FDB];
	_ =	sdelay $0x1  }
0x99: {  	s6 =	simm.s32 $_scs_section_size  }
0x9a: {  	s7 =	simm.s32 $_size__tile_overlayer_lowered;
	s8 =	simm.s32 $_tile_overlayer_lowered  }
0x9b: {  	s20 =	simm.s32 $0x1BFF;
	s19 =	sshll.u32 s8, $0x1;
	s5 =	sadd.s32 s6, s17  }
0x9c: {  	s9 =	simm.s32 $0x0;
	s18 =	sshll.u32 s7, $0x1;
	s7 =	sadd.s32 s19, s5  }
0x9d: {  	[timem:s9], [sflag:s20] =	dma.local [hbm:s7], s18  }
0x9e: {  	_ =	swait.ge [sflag:s20], s18  }
0x9f: {  	s6 =	ssub.s32 $0x0, s18;
	[sflag:s20] =	ssyncset.done $0x0  }
0xa0: {  	[sflag:s20] =	ssyncadd.s32 s6;
	_ =	sdelay $0x1  }
0xa1: {  	s21 =	simm.s32 $0x1B8B  }
0xa2: {  	_ =	swait.ge [sflag:s21], $0x1  }
0xa3: {  	[sflag:s21] =	ssyncset.done $0x0  }
0xa4: {  	s23 =	simm.s32 $0x1B8E;
	s22 =	sld [smem:$0x3FFE];
	[sflag:s21] =	ssyncadd.s32 $0xFFFFFFFF  }
0xa5: {  	s24 =	simm.s32 $execute0_lowered;
	[smem:$0x3FD2] =	sst s23  }
0xa6: {  	s7 =	sshll.u32 s24, $0x1;
	_ =	strace $0x80000046;
	[dreg:$0x1] =	wrdreg $0xFFFFFFFF  }
0xa7: {  	s25 =	simm.s32 $_size_execute0_lowered;
	s5 =	sadd.s32 s5, s7;
	[dreg:$0x0] =	wrdreg $0x0  }
0xa8: {  	s7 =	sshll.u32 s25, $0x1;
	[dreg:$0x2] =	wrdreg s5  }
0xa9: {  	[dreg:$0x3] =	wrdreg s7  }
0xaa: {  	[dreg:$0x4] =	wrdreg $0xC0  }
0xab: {  	_ =	task [dreg:s9], $0x5FFFF  }
0xac: {  	[dreg:$0x1] =	wrdreg $0xFFFFFFFF  }
0xad: {  	[dreg:$0x0] =	wrdreg $0x60  }
0xae: {  	[dreg:$0x2] =	wrdreg s16  }
0xaf: {  	[dreg:$0x3] =	wrdreg s2  }
0xb0: {  	[dreg:$0x4] =	wrdreg s3  }
0xb1: {  	[dreg:$0x5] =	wrdreg s22  }
0xb2: {  	s0 =	sadd.s32 $0x400, s0;
	[dreg:$0x6] =	wrdreg s4  }
0xb3: {  	[dreg:$0x7] =	wrdreg s0  }
0xb4: {  	[dreg:$0x8] =	wrdreg $0x9  }
0xb5: {  	_ =	task.clear_ibuf [dreg:s9], $0x9FFFF;
	_ =	strace $0x90000046  }
0xb6: {  	s26 =	simm.s32 $0x9;
	_ =	strace $0x80000048  }
0xb7: {  	_ =	swait.ge [sflag:s26], $0x1  }
0xb8: {  	[sflag:s26] =	ssyncadd.s32 $0xFFFFFFFF  }
0xb9: {  	_ =	strace $0x90000048  }
0xba: {  	_ =	sfence  }
0xbb: {  	s28 =	sld [smem:$0x0];
	_ =	sdelay $0x1  }
0xbc: {  	s29 =	srdreg.scid  }
0xbd: {  	s30 =	sshll.u32 s29, $0xD;
	s31 =	sshrl.u32 s29, $0x2  }
0xbe: {  	s1 =	sand.u32 $0x1, s29;
	s2 =	sand.u32 $0x4000, s30;
	s0 =	sadd.s32 s31, s28  }
0xbf: {  	s1 =	sor.u32 s2, s1;
	s0 =	sshll.u32 s0, $0x11  }
0xc0: {  	s0 =	sor.u32 s0, s1  }
0xc1: {  	s0 =	sadd.s32 $0x8F2B, s0  }
0xc2: {  	[sflag:s0] =	ssyncadd.remote.s32 $0x1  }
0xc3: {  	_ =	sfence.sel $0xFFFF  }
0xc4: {  	[dreg:$0x0] =	wrdreg $0xFFFFFFFF;
	(pc) =	sbr.abs _section_cstart, $3  }
0xc5: {  	[dreg:$0x1] =	wrdreg $0xFFFFFFFF  }
0xc6: {  	_ =	task.clear_ibuf [dreg:s9], $0x2FFFF;
	_ =	strace $0x9FFFFFFF  }
0xc7: {  	(tm) =	ssettm $0x7FFFFFFF  }
tec
execute0_lowered:
.L_overlay_start_1:
0x0: {  	(tag) =	ssettag $0x1  }
0x1: {  	s7 =	rddreg [dreg:$0x0]  }
0x2: {  	s5 =	rddreg [dreg:$0x1]  }
0x3: {  	s6 =	rddreg [dreg:$0x2]  }
0x4: {  	s9 =	rddreg [dreg:$0x3]  }
0x5: {  	s1 =	rddreg [dreg:$0x4]  }
0x6: {  	s2 =	rddreg [dreg:$0x5];
	s8 =	simm.s32 $0x0  }
0x7: {  	[smem:$0x7FF] =	sst s8  }
0x8: {  	s0 =	rddreg [dreg:$0x6];
	v0 =	vimm.f32 $1.111111120e-01;
	_ =	strace $0x80000047  }
0x9: {  	(erf) = vrcp.f32 v0;
	_ =	sdelay $0x1  }
0xa: {  	s3 =	stileid.u32  }
0xb: {  	s4 =	sshll.u32 s3, $0x4  }
0xc: {  	s10 =	sshll.u32 s3, $0xB;
	s5 =	sadd.s32 s5, s4  }
0xd: {  	[tilespmem:s8], [sflag:$0x1] =	stream.linear.gather [hbm4b:s5+s8], $0x80, $0x38;
	[tilespmem:$0x4E00] =	vst v63  }
0xe: {  	s15 =	simm.s32 $0x80;
	s13 =	sadd.s32 s10, s9;
	s14 =	sadd.s32 s6, s4  }
0xf: {  	[tilespmem:s15], [sflag:$0x1] =	stream.linear.gather [hbm4b:s14+s8], $0x80, $0x38;
	[tilespmem:$0x4E00] =	vst v63  }
0x10: {  	s17 =	simm.s32 $0x1;
	s16 =	sadd.s32 $0x400, s13;
	s5 =	simm.s32 $0x100  }
0x11: {  	[tilespmem:s5], [sflag:$0x1] =	stream.linear.gather [hbm4b:s16+s8], $0x4000, $0x38;
	v0 =	vpop (erf);
	[tilespmem:$0x4E00] =	vst v63  }
0x12: {  	_ =	swait.ge [sflag:s17], $0x80  }
0x13: {  	[sflag:s17] =	ssyncset.done $0x0  }
0x14: {  	[sflag:s17] =	ssyncadd.s32 $0xFFFFFF80  }
0x15: {  	v1 =	vld [tilespmem:$0x0]  }
0x16: {  	v2 =	vld [tilespmem:$0x10]  }
0x17: {  	v3 =	vld [tilespmem:$0x20]  }
0x18: {  	s11 =	smul.u32 $0xC000, s3;
	v4 =	vld [tilespmem:$0x30]  }
0x19: {  	v5 =	vld [tilespmem:$0x40]  }
0x1a: {  	v6 =	vld [tilespmem:$0x50];
	v1 =	vadd.s32 s11, v1  }
0x1b: {  	[tilespmem:$0x4100] =	vst v1;
	v1 =	vadd.s32 s11, v2;
	v2 =	vld [tilespmem:$0x60]  }
0x1c: {  	[tilespmem:$0x4110] =	vst v1;
	v1 =	vadd.s32 s11, v3;
	v3 =	vld [tilespmem:$0x70]  }
0x1d: {  	[tilespmem:$0x4120] =	vst v1;
	v1 =	vadd.s32 s11, v4  }
0x1e: {  	[tilespmem:$0x4130] =	vst v1;
	v1 =	vadd.s32 s11, v5  }
0x1f: {  	[tilespmem:$0x4140] =	vst v1;
	v1 =	vadd.s32 s11, v6  }
0x20: {  	[tilespmem:$0x4150] =	vst v1;
	v1 =	vadd.s32 s11, v2  }
0x21: {  	[tilespmem:$0x4160] =	vst v1;
	v1 =	vadd.s32 s11, v3  }
0x22: {  	s12 =	simm.s32 $0x4100;
	s18 =	simm.s32 $0x4300;
	[tilespmem:$0x4170] =	vst v1  }
0x23: {  	[tilespmem:s18], [sflag:$0x2] =	stream.indirect.gather [hbm4b:s7+s15], $0x1, s12, s15, $0xb8;
	[tilespmem:$0x4E00] =	vst v63  }
0x24: {  	v1 =	vld [tilespmem:$0x0]  }
0x25: {  	v2 =	vld [tilespmem:$0x10]  }
0x26: {  	v3 =	vld [tilespmem:$0x20]  }
0x27: {  	v4 =	vld [tilespmem:$0x30]  }
0x28: {  	s19 =	sadd.s32 $0x4000, s11;
	v5 =	vld [tilespmem:$0x40]  }
0x29: {  	v6 =	vld [tilespmem:$0x50];
	v1 =	vadd.s32 s19, v1  }
0x2a: {  	[tilespmem:$0x4180] =	vst v1;
	v1 =	vadd.s32 s19, v2;
	v2 =	vld [tilespmem:$0x60]  }
0x2b: {  	[tilespmem:$0x4190] =	vst v1;
	v1 =	vadd.s32 s19, v3;
	v3 =	vld [tilespmem:$0x70]  }
0x2c: {  	[tilespmem:$0x41A0] =	vst v1;
	v1 =	vadd.s32 s19, v4  }
0x2d: {  	[tilespmem:$0x41B0] =	vst v1;
	v1 =	vadd.s32 s19, v5  }
0x2e: {  	[tilespmem:$0x41C0] =	vst v1;
	v1 =	vadd.s32 s19, v6  }
0x2f: {  	[tilespmem:$0x41D0] =	vst v1;
	v1 =	vadd.s32 s19, v2  }
0x30: {  	[tilespmem:$0x41E0] =	vst v1;
	v1 =	vadd.s32 s19, v3  }
0x31: {  	s20 =	simm.s32 $0x4180;
	s13 =	simm.s32 $0x4380;
	[tilespmem:$0x41F0] =	vst v1  }
0x32: {  	[tilespmem:s13], [sflag:$0x3] =	stream.indirect.gather [hbm4b:s7+s15], $0x1, s20, s15, $0xb8;
	[tilespmem:$0x4E00] =	vst v63  }
0x33: {  	v1 =	vld [tilespmem:$0x0]  }
0x34: {  	v2 =	vld [tilespmem:$0x10]  }
0x35: {  	v3 =	vld [tilespmem:$0x20]  }
0x36: {  	v4 =	vld [tilespmem:$0x30]  }
0x37: {  	s11 =	sadd.s32 $0x8000, s11;
	v5 =	vld [tilespmem:$0x40]  }
0x38: {  	v6 =	vld [tilespmem:$0x50];
	v1 =	vadd.s32 s11, v1  }
0x39: {  	[tilespmem:$0x4200] =	vst v1;
	v1 =	vadd.s32 s11, v2;
	v2 =	vld [tilespmem:$0x60]  }
0x3a: {  	[tilespmem:$0x4210] =	vst v1;
	v1 =	vadd.s32 s11, v3;
	v3 =	vld [tilespmem:$0x70]  }
0x3b: {  	[tilespmem:$0x4220] =	vst v1;
	v1 =	vadd.s32 s11, v4  }
0x3c: {  	[tilespmem:$0x4230] =	vst v1;
	v1 =	vadd.s32 s11, v5  }
0x3d: {  	[tilespmem:$0x4240] =	vst v1;
	v1 =	vadd.s32 s11, v6  }
0x3e: {  	[tilespmem:$0x4250] =	vst v1;
	v1 =	vadd.s32 s11, v2  }
0x3f: {  	[tilespmem:$0x4260] =	vst v1;
	v1 =	vadd.s32 s11, v3  }
0x40: {  	s21 =	simm.s32 $0x4200;
	s22 =	simm.s32 $0x4400;
	[tilespmem:$0x4270] =	vst v1  }
0x41: {  	[tilespmem:s22], [sflag:$0x4] =	stream.indirect.gather [hbm4b:s7+s15], $0x1, s21, s15, $0xb8;
	[tilespmem:$0x4E00] =	vst v63  }
0x42: {  	_ =	swait.ge [sflag:s17], $0x80  }
0x43: {  	v1 =	vlaneseq.u32;
	[sflag:s17] =	ssyncset.done $0x0  }
0x44: {  	v2 =	vmul.u32 $0x80, v1;
	v1 =	vmov s8;
	[sflag:s17] =	ssyncadd.s32 $0xFFFFFF80  }
0x45: {  	v1 =	vshll.u32 v1, $0x7;
	_ =	swait.ge [sflag:s17], $0x4000  }
0x46: {  	v1 =	vor.u32 v2, v1;
	[sflag:s17] =	ssyncset.done $0x0  }
0x47: {  	s23 =	simm.s32 $0x2;
	[sflag:s17] =	ssyncadd.s32 $0xFFFFC000  }
0x48: {  	s24 =	simm.s32 $0x10;
	_ =	swait.ge [sflag:s23], $0x80  }
0x49: {  	v3 =	vmov s24;
	[sflag:s23] =	ssyncset.done $0x0  }
0x4a: {  	v3 =	vshll.u32 v3, $0x7;
	[sflag:s23] =	ssyncadd.s32 $0xFFFFFF80  }
0x4b: {  	v3 =	vor.u32 v2, v3;
	v4 =	vld.idx.msk [tilespmem:v1+s5+$0x0], $0xffff  }
0x4c: {  	v5 =	vld [tilespmem:s15+$0x0];
	_ =	sdelay $0x1  }
0x4d: {  	s25 =	simm.s32 $0x20  }
0x4e: {  	vm0 =	vmmov $0xffff;
	v6 =	vmov s25;
	v7 =	vld [tilespmem:s18+$0x0]  }
0x4f: {  	s26 =	simm.s32 $0x90;
	v6 =	vshll.u32 v6, $0x7;
	v1 =	vimm.f32 $0.0e+00;
	v8 =	vld.idx.msk [tilespmem:v3+s5+$0x0], $0xffff;
	vm1 =	veq.f32 v4, v4  }
0x50: {  	v3 =	vor.u32 v2, v6;
	v6 =	vld [tilespmem:s26+$0x0];
	v5 =	vcvt.s32.f32 v5;
	vm1 =	vmand vm1, vm0  }
0x51: {  	v9 =	vsel vm1, $0x3F800000, v1  }
0x52: {  	v9 =	vmul.f32 v5, v9  }
0x53: {  	s29 =	simm.s32 $0x4310  }
0x54: {  	v10 =	vld [tilespmem:s29+$0x0];
	v7 =	vmul.f32 v9, v7;
	v4 =	vmul.f32 v9, v4  }
0x55: {  	s28 =	simm.s32 $0x30;
	v3 =	vld.idx.msk [tilespmem:v3+s5+$0x0], $0xffff;
	v6 =	vcvt.s32.f32 v6;
	vm1 =	veq.f32 v8, v8  }
0x56: {  	s30 =	simm.s32 $0xA0;
	vm1 =	vmand vm1, vm0;
	v9 =	vmov s28;
	v4 =	vsub.f32 v7, v4  }
0x57: {  	v5 =	vadd.f32 v5, v1;
	v11 =	vsel vm1, $0x3F800000, v1;
	v7 =	vshll.u32 v9, $0x7;
	v9 =	vld [tilespmem:s30+$0x0]  }
0x58: {  	v12 =	vor.u32 v2, v7;
	v7 =	vmul.f32 v6, v11;
	v4 =	vand.u32 $0x7FFFFFFF, v4  }
0x59: {  	v6 =	vadd.f32 v6, v5;
	v5 =	vmul.f32 $5.000000000e-01, v4  }
0x5a: {  	s31 =	simm.s32 $0x40;
	vm1 =	veq.f32 v3, v3;
	v10 =	vmul.f32 v7, v10;
	v8 =	vmul.f32 v7, v8  }
0x5b: {  	s6 =	simm.s32 $0x4320;
	vm1 =	vmand vm1, vm0;
	v11 =	vmov s31;
	v13 =	vmul.f32 v5, v4  }
0x5c: {  	v14 =	vshll.u32 v11, $0x7;
	v7 =	vld [tilespmem:s6+$0x0];
	v9 =	vcvt.s32.f32 v9;
	v11 =	vsub.f32 v10, v8  }
0x5d: {  	s7 =	simm.s32 $0xB0;
	v8 =	vor.u32 v2, v14;
	v5 =	vld.idx.msk [tilespmem:v12+s5+$0x0], $0xffff;
	v12 =	vmul.f32 v13, v0;
	v13 =	vadd.f32 $-5.555555600e-02, v4  }
0x5e: {  	s8 =	simm.s32 $0x50;
	v10 =	vld [tilespmem:s7+$0x0];
	v14 =	vsel vm1, $0x3F800000, v1;
	vm1 =	vlt.f32 v4, $1.111111120e-01;
	v4 =	vimm.f32 $0.0e+00  }
.LBB2_1:
0x5f: {  	p0 =	sne.s32 s8, $0x70;
	v14 =	vmul.f32 v9, v14;
	v15 =	vand.u32 $0x7FFFFFFF, v11;
	v11 =	vsel vm1, v12, v13  }
0x60: {  	v6 =	vadd.f32 v9, v6;
	v9 =	vmul.f32 $5.000000000e-01, v15;
	v4 =	vadd.f32 v11, v4  }
.Ltmp0:
0x61: {  	s6 =	sadd.s32 $0x10, s6;
	v11 =	vmov s8;
	v12 =	vmul.f32 v14, v7;
	(pc) =	sbr.rel @p0 .LBB2_1-.Ltmp0, $4  }
0x62: {  	vm1 =	veq.f32 v5, v5;
	v13 =	vmul.f32 v14, v3;
	v3 =	vmovc v5;
	v7 =	vld [tilespmem:s6+$0x0];
	v14 =	vmul.f32 v9, v15  }
0x63: {  	v16 =	vshll.u32 v11, $0x7;
	vm1 =	vmand vm1, vm0;
	v5 =	vld.idx.msk [tilespmem:v8+s5+$0x0], $0xffff;
	v9 =	vcvt.s32.f32 v10  }
0x64: {  	s7 =	sadd.s32 $0x10, s7;
	v11 =	vsub.f32 v12, v13;
	v13 =	vadd.f32 $-5.555555600e-02, v15;
	v12 =	vmul.f32 v14, v0  }
0x65: {  	s8 =	sadd.s32 $0x10, s8;
	v8 =	vor.u32 v2, v16;
	v14 =	vsel vm1, $0x3F800000, v1;
	vm1 =	vlt.f32 v15, $1.111111120e-01;
	v10 =	vld [tilespmem:s7+$0x0]  }
0x66: {  	v2 =	vmul.f32 v9, v14;
	v11 =	vand.u32 $0x7FFFFFFF, v11  }
0x67: {  	v14 =	vmul.f32 $5.000000000e-01, v11  }
0x68: {  	v12 =	vsel vm1, v12, v13;
	v7 =	vmul.f32 v2, v7  }
0x69: {  	s6 =	sadd.s32 $0x10, s6;
	vm1 =	veq.f32 v5, v5;
	v2 =	vmul.f32 v2, v3;
	v3 =	vmul.f32 v14, v11  }
0x6a: {  	v6 =	vadd.f32 v9, v6;
	v9 =	vld [tilespmem:s6+$0x0];
	v13 =	vadd.f32 $-5.555555600e-02, v11;
	vm1 =	vmand vm1, vm0  }
0x6b: {  	v8 =	vld.idx.msk [tilespmem:v8+s5+$0x0], $0xffff;
	s18 =	sadd.s32 $0x10, s7;
	v10 =	vcvt.s32.f32 v10;
	v2 =	vsub.f32 v7, v2;
	v7 =	vmul.f32 v3, v0  }
0x6c: {  	s19 =	simm.s32 $0x0;
	v14 =	vld [tilespmem:s18+$0x0];
	v3 =	vsel vm1, $0x3F800000, v1;
	vm1 =	vlt.f32 v11, $1.111111120e-01;
	v11 =	vlaneseq.u32  }
0x6d: {  	v15 =	vmul.f32 v10, v3;
	v3 =	vmul.u32 $0x80, v11;
	v11 =	vmov s19  }
0x6e: {  	v4 =	vadd.f32 v12, v4;
	v2 =	vand.u32 $0x7FFFFFFF, v2;
	v11 =	vshll.u32 v11, $0x7  }
0x6f: {  	s20 =	sadd.s32 $0x10, s6;
	v9 =	vmul.f32 v15, v9;
	v5 =	vmul.f32 v15, v5;
	v11 =	vor.u32 v3, v11  }
0x70: {  	v7 =	vsel vm1, v7, v13;
	vm1 =	veq.f32 v8, v8;
	v15 =	vld [tilespmem:s20+$0x0];
	v11 =	vor.u32 $0x1, v11  }
0x71: {  	s21 =	simm.s32 $0x3;
	s22 =	simm.s32 $0x10;
	v14 =	vcvt.s32.f32 v14;
	vm1 =	vmand vm1, vm0;
	v5 =	vsub.f32 v9, v5  }
0x72: {  	v12 =	vmov s22;
	v13 =	vmul.f32 $5.000000000e-01, v2;
	_ =	swait.ge [sflag:s21], $0x80;
	v1 =	vsel vm1, $0x3F800000, v1  }
0x73: {  	v6 =	vadd.f32 v10, v6;
	[sflag:s21] =	ssyncset.done $0x0;
	v1 =	vmul.f32 v14, v1;
	v5 =	vand.u32 $0x7FFFFFFF, v5  }
0x74: {  	s5 =	simm.s32 $0x100;
	vm1 =	vlt.f32 v2, $1.111111120e-01;
	v9 =	vmul.f32 v13, v2;
	[sflag:s21] =	ssyncadd.s32 $0xFFFFFF80;
	v10 =	vmul.f32 $5.000000000e-01, v5  }
0x75: {  	v13 =	vmul.f32 v1, v15;
	v1 =	vmul.f32 v1, v8;
	v8 =	vshll.u32 v12, $0x7;
	v11 =	vld.idx.msk [tilespmem:v11+s5+$0x0], $0xffff  }
0x76: {  	s23 =	simm.s32 $0x80;
	v9 =	vmul.f32 v9, v0;
	v12 =	vadd.f32 $-5.555555600e-02, v2;
	v2 =	vor.u32 v3, v8  }
0x77: {  	s24 =	simm.s32 $0x20;
	v8 =	vmul.f32 v10, v5;
	v10 =	vsub.f32 v13, v1;
	v2 =	vor.u32 $0x1, v2;
	v13 =	vld [tilespmem:s23+$0x0]  }
0x78: {  	v7 =	vadd.f32 v7, v4;
	v1 =	vadd.f32 v14, v6;
	v14 =	vmov s24  }
0x79: {  	v4 =	vimm.f32 $0.0e+00;
	v9 =	vsel vm1, v9, v12;
	v14 =	vshll.u32 v14, $0x7  }
0x7a: {  	s25 =	simm.s32 $0x4380;
	v6 =	vmul.f32 v8, v0;
	v10 =	vand.u32 $0x7FFFFFFF, v10;
	vm1 =	veq.f32 v11, v11  }
0x7b: {  	v15 =	vld [tilespmem:s25+$0x0];
	v8 =	vadd.f32 $-5.555555600e-02, v5;
	v12 =	vmul.f32 $5.000000000e-01, v10;
	vm1 =	vmand vm1, vm0  }
0x7c: {  	s26 =	simm.s32 $0x90;
	v14 =	vor.u32 v3, v14;
	v16 =	vld.idx.msk [tilespmem:v2+s5+$0x0], $0xffff;
	v2 =	vcvt.s32.f32 v13;
	v13 =	vsel vm1, $0x3F800000, v4  }
0x7d: {  	s28 =	simm.s32 $0x30;
	vm1 =	vlt.f32 v5, $1.111111120e-01;
	v5 =	vmul.f32 v12, v10;
	v12 =	vor.u32 $0x1, v14;
	v14 =	vld [tilespmem:s26+$0x0]  }
0x7e: {  	v7 =	vadd.f32 v9, v7;
	v9 =	vmov s28;
	v2 =	vmul.f32 v2, v13  }
0x7f: {  	v6 =	vsel vm1, v6, v8;
	v8 =	vadd.f32 $-5.555555600e-02, v10;
	v5 =	vmul.f32 v5, v0  }
0x80: {  	s29 =	simm.s32 $0x4390;
	vm1 =	vlt.f32 v10, $1.111111120e-01;
	v10 =	vmul.f32 v2, v15;
	v2 =	vmul.f32 v2, v11  }
0x81: {  	v9 =	vshll.u32 v9, $0x7;
	v11 =	vld [tilespmem:s29+$0x0];
	v8 =	vsel vm1, v5, v8;
	vm1 =	veq.f32 v16, v16  }
0x82: {  	s30 =	simm.s32 $0xA0;
	v5 =	vld.idx.msk [tilespmem:v12+s5+$0x0], $0xffff;
	v12 =	vcvt.s32.f32 v14;
	vm1 =	vmand vm1, vm0;
	v2 =	vsub.f32 v10, v2  }
0x83: {  	v6 =	vadd.f32 v6, v7;
	v7 =	vor.u32 v3, v9;
	v9 =	vld [tilespmem:s30+$0x0];
	v10 =	vsel vm1, $0x3F800000, v4  }
0x84: {  	s31 =	simm.s32 $0x40;
	v13 =	vor.u32 $0x1, v7;
	v10 =	vmul.f32 v12, v10;
	v7 =	vand.u32 $0x7FFFFFFF, v2  }
0x85: {  	v2 =	vadd.f32 v8, v6;
	v6 =	vmov s31;
	v8 =	vmul.f32 $5.000000000e-01, v7  }
0x86: {  	v6 =	vshll.u32 v6, $0x7;
	v12 =	vmul.f32 v10, v11;
	v14 =	vmul.f32 v10, v16  }
0x87: {  	s6 =	simm.s32 $0x43A0;
	v11 =	vor.u32 v3, v6;
	vm1 =	veq.f32 v5, v5;
	v15 =	vmul.f32 v8, v7  }
0x88: {  	v10 =	vcvt.s32.f32 v9;
	v9 =	vimm.f32 $0.0e+00;
	v8 =	vld [tilespmem:s6+$0x0];
	vm1 =	vmand vm1, vm0  }
0x89: {  	s8 =	simm.s32 $0x50;
	s7 =	simm.s32 $0xB0;
	v6 =	vld.idx.msk [tilespmem:v13+s5+$0x0], $0xffff;
	v12 =	vsub.f32 v12, v14;
	v14 =	vadd.f32 $-5.555555600e-02, v7;
	v13 =	vmul.f32 v15, v0  }
.LBB2_3:
0x8a: {  	p0 =	sne.s32 s8, $0x70;
	v15 =	vor.u32 $0x1, v11;
	v16 =	vld [tilespmem:s7+$0x0];
	v11 =	vsel vm1, $0x3F800000, v4;
	vm1 =	vlt.f32 v7, $1.111111120e-01  }
0x8b: {  	v10 =	vmul.f32 v10, v11;
	v7 =	vand.u32 $0x7FFFFFFF, v12;
	v11 =	vsel vm1, v13, v14  }
.Ltmp1:
0x8c: {  	v12 =	vmov s8;
	v13 =	vmul.f32 $5.000000000e-01, v7;
	v9 =	vadd.f32 v11, v9;
	(pc) =	sbr.rel @p0 .LBB2_3-.Ltmp1, $4  }
0x8d: {  	s6 =	sadd.s32 $0x10, s6;
	v11 =	vshll.u32 v12, $0x7;
	v12 =	vmul.f32 v10, v8  }
0x8e: {  	vm1 =	veq.f32 v6, v6;
	v14 =	vmul.f32 v10, v5;
	v5 =	vmovc v6;
	v8 =	vld [tilespmem:s6+$0x0];
	v13 =	vmul.f32 v13, v7  }
0x8f: {  	v11 =	vor.u32 v3, v11;
	vm1 =	vmand vm1, vm0;
	v6 =	vld.idx.msk [tilespmem:v15+s5+$0x0], $0xffff;
	v10 =	vcvt.s32.f32 v16  }
0x90: {  	s7 =	sadd.s32 $0x10, s7;
	s8 =	sadd.s32 $0x10, s8;
	v12 =	vsub.f32 v12, v14;
	v14 =	vadd.f32 $-5.555555600e-02, v7;
	v13 =	vmul.f32 v13, v0  }
0x91: {  	v3 =	vor.u32 $0x1, v11;
	v11 =	vld [tilespmem:s7+$0x0]  }
0x92: {  	v15 =	vsel vm1, $0x3F800000, v4;
	vm1 =	vlt.f32 v7, $1.111111120e-01  }
0x93: {  	v10 =	vmul.f32 v10, v15;
	v12 =	vand.u32 $0x7FFFFFFF, v12;
	v13 =	vsel vm1, v13, v14  }
0x94: {  	s6 =	sadd.s32 $0x10, s6;
	v7 =	vmul.f32 $5.000000000e-01, v12;
	v9 =	vadd.f32 v13, v9  }
0x95: {  	v8 =	vmul.f32 v10, v8;
	v5 =	vmul.f32 v10, v5;
	v10 =	vld [tilespmem:s6+$0x0];
	vm1 =	veq.f32 v6, v6  }
0x96: {  	s18 =	sadd.s32 $0x10, s7;
	v7 =	vmul.f32 v7, v12;
	vm1 =	vmand vm1, vm0;
	v13 =	vld.idx.msk [tilespmem:v3+s5+$0x0], $0xffff;
	v3 =	vcvt.s32.f32 v11  }
0x97: {  	v14 =	vlaneseq.u32;
	v5 =	vsub.f32 v8, v5;
	v8 =	vld [tilespmem:s18+$0x0];
	v11 =	vsel vm1, $0x3F800000, v4  }
0x98: {  	s19 =	simm.s32 $0x0;
	v15 =	vadd.f32 $-5.555555600e-02, v12;
	v7 =	vmul.f32 v7, v0;
	v11 =	vmul.f32 v3, v11  }
0x99: {  	v3 =	vmul.u32 $0x80, v14;
	v14 =	vmov s19;
	v5 =	vand.u32 $0x7FFFFFFF, v5  }
0x9a: {  	s20 =	sadd.s32 $0x10, s6;
	v14 =	vshll.u32 v14, $0x7;
	v10 =	vmul.f32 v11, v10;
	v6 =	vmul.f32 v11, v6  }
0x9b: {  	v16 =	vld [tilespmem:s20+$0x0];
	v11 =	vor.u32 v3, v14;
	v14 =	vmul.f32 $5.000000000e-01, v5;
	vm1 =	veq.f32 v13, v13  }
0x9c: {  	v11 =	vor.u32 $0x2, v11;
	v8 =	vcvt.s32.f32 v8;
	vm1 =	vmand vm1, vm0  }
0x9d: {  	s21 =	simm.s32 $0x4;
	s22 =	simm.s32 $0x10;
	v6 =	vsub.f32 v10, v6;
	v10 =	vmul.f32 v14, v5;
	v4 =	vsel vm1, $0x3F800000, v4  }
0x9e: {  	_ =	swait.ge [sflag:s21], $0x80;
	vm1 =	vlt.f32 v12, $1.111111120e-01;
	v12 =	vmov s22;
	v4 =	vmul.f32 v8, v4  }
0x9f: {  	[sflag:s21] =	ssyncset.done $0x0;
	v7 =	vsel vm1, v7, v15;
	v6 =	vand.u32 $0x7FFFFFFF, v6;
	v8 =	vmul.f32 v10, v0  }
0xa0: {  	s24 =	simm.s32 $0x20;
	s5 =	simm.s32 $0x100;
	[sflag:s21] =	ssyncadd.s32 $0xFFFFFF80;
	v12 =	vshll.u32 v12, $0x7;
	v14 =	vmul.f32 v4, v16;
	v4 =	vmul.f32 v4, v13  }
0xa1: {  	s23 =	simm.s32 $0x80;
	vm1 =	vlt.f32 v5, $1.111111120e-01;
	v15 =	vmov s24;
	v10 =	vmul.f32 $5.000000000e-01, v6;
	v11 =	vld.idx.msk [tilespmem:v11+s5+$0x0], $0xffff  }
0xa2: {  	v13 =	vadd.f32 $-5.555555600e-02, v5;
	v5 =	vor.u32 v3, v12;
	v4 =	vsub.f32 v14, v4;
	v14 =	vld [tilespmem:s23+$0x0]  }
0xa3: {  	v15 =	vshll.u32 v15, $0x7;
	v10 =	vmul.f32 v10, v6;
	v12 =	vor.u32 $0x2, v5  }
0xa4: {  	v7 =	vadd.f32 v7, v9;
	v15 =	vor.u32 v3, v15;
	v5 =	vimm.f32 $0.0e+00  }
0xa5: {  	v8 =	vsel vm1, v8, v13;
	v9 =	vmul.f32 v10, v0;
	v4 =	vand.u32 $0x7FFFFFFF, v4  }
0xa6: {  	s25 =	simm.s32 $0x4400;
	v10 =	vadd.f32 $-5.555555600e-02, v6;
	v13 =	vmul.f32 $5.000000000e-01, v4;
	vm1 =	veq.f32 v11, v11  }
0xa7: {  	v16 =	vld [tilespmem:s25+$0x0];
	v8 =	vadd.f32 v8, v7;
	vm1 =	vmand vm1, vm0;
	v14 =	vcvt.s32.f32 v14  }
0xa8: {  	s26 =	simm.s32 $0x90;
	v12 =	vld.idx.msk [tilespmem:v12+s5+$0x0], $0xffff;
	v17 =	vsel vm1, $0x3F800000, v5;
	vm1 =	vlt.f32 v6, $1.111111120e-01;
	v6 =	vmul.f32 v13, v4  }
0xa9: {  	s28 =	simm.s32 $0x30;
	v13 =	vor.u32 $0x2, v15;
	v15 =	vld [tilespmem:s26+$0x0];
	v9 =	vsel vm1, v9, v10;
	v10 =	vadd.f32 $-5.555555600e-02, v4  }
0xaa: {  	vm1 =	vlt.f32 v4, $1.111111120e-01;
	v4 =	vmov s28;
	v7 =	vmul.f32 v14, v17  }
0xab: {  	v6 =	vmul.f32 v6, v0;
	v4 =	vshll.u32 v4, $0x7  }
0xac: {  	s29 =	simm.s32 $0x4410;
	v9 =	vadd.f32 v9, v8;
	v14 =	vmul.f32 v7, v16;
	v11 =	vmul.f32 v7, v11  }
0xad: {  	v4 =	vor.u32 v3, v4;
	v6 =	vsel vm1, v6, v10;
	v10 =	vld [tilespmem:s29+$0x0];
	vm1 =	veq.f32 v12, v12  }
0xae: {  	s30 =	simm.s32 $0xA0;
	v7 =	vld.idx.msk [tilespmem:v13+s5+$0x0], $0xffff;
	v13 =	vcvt.s32.f32 v15;
	vm1 =	vmand vm1, vm0;
	v11 =	vsub.f32 v14, v11  }
0xaf: {  	s31 =	simm.s32 $0x40;
	v16 =	vor.u32 $0x2, v4;
	v4 =	vadd.f32 v6, v9;
	v14 =	vld [tilespmem:s30+$0x0];
	v8 =	vsel vm1, $0x3F800000, v5  }
0xb0: {  	v6 =	vmov s31;
	v13 =	vmul.f32 v13, v8;
	v8 =	vand.u32 $0x7FFFFFFF, v11  }
0xb1: {  	v6 =	vshll.u32 v6, $0x7;
	v9 =	vmul.f32 $5.000000000e-01, v8  }
0xb2: {  	v15 =	vor.u32 v3, v6;
	v11 =	vmul.f32 v13, v10  }
0xb3: {  	s6 =	simm.s32 $0x4420;
	v12 =	vmul.f32 v13, v12;
	vm1 =	veq.f32 v7, v7;
	v17 =	vmul.f32 v9, v8  }
0xb4: {  	v6 =	vimm.f32 $0.0e+00;
	v10 =	vld [tilespmem:s6+$0x0];
	v14 =	vcvt.s32.f32 v14;
	vm1 =	vmand vm1, vm0  }
0xb5: {  	s8 =	simm.s32 $0x50;
	s7 =	simm.s32 $0xB0;
	v13 =	vsub.f32 v11, v12;
	v9 =	vld.idx.msk [tilespmem:v16+s5+$0x0], $0xffff;
	v12 =	vadd.f32 $-5.555555600e-02, v8;
	v11 =	vmul.f32 v17, v0  }
.LBB2_5:
0xb6: {  	p0 =	sne.s32 s8, $0x70;
	v16 =	vor.u32 $0x2, v15;
	v17 =	vld [tilespmem:s7+$0x0];
	v15 =	vsel vm1, $0x3F800000, v5;
	vm1 =	vlt.f32 v8, $1.111111120e-01  }
0xb7: {  	v14 =	vmul.f32 v14, v15;
	v8 =	vand.u32 $0x7FFFFFFF, v13;
	v11 =	vsel vm1, v11, v12  }
.Ltmp2:
0xb8: {  	v12 =	vmov s8;
	v13 =	vmul.f32 $5.000000000e-01, v8;
	v6 =	vadd.f32 v11, v6;
	(pc) =	sbr.rel @p0 .LBB2_5-.Ltmp2, $4  }
0xb9: {  	s6 =	sadd.s32 $0x10, s6;
	v11 =	vshll.u32 v12, $0x7;
	v12 =	vmul.f32 v14, v10  }
0xba: {  	vm1 =	veq.f32 v9, v9;
	v18 =	vmul.f32 v14, v7;
	v7 =	vmovc v9;
	v10 =	vld [tilespmem:s6+$0x0];
	v19 =	vmul.f32 v13, v8  }
0xbb: {  	v15 =	vor.u32 v3, v11;
	vm1 =	vmand vm1, vm0;
	v9 =	vld.idx.msk [tilespmem:v16+s5+$0x0], $0xffff;
	v14 =	vcvt.s32.f32 v17  }
0xbc: {  	s7 =	sadd.s32 $0x10, s7;
	s8 =	sadd.s32 $0x10, s8;
	v13 =	vsub.f32 v12, v18;
	v12 =	vadd.f32 $-5.555555600e-02, v8;
	v11 =	vmul.f32 v19, v0  }
0xbd: {  	v3 =	vor.u32 $0x2, v15;
	_ =	sdelay $0x2  }
0xbe: {  	v33 =	vld [tilespmem:s7+$0x0];
	_ =	sdelay $0x1  }
0xbf: {  	s26 =	sadd.s32 $0x10, s7;
	v3 =	vld.idx.msk [tilespmem:v3+s5+$0x0], $0xffff  }
0xc0: {  	v16 =	vsel vm1, $0x3F800000, v5;
	s6 =	sadd.s32 $0x10, s6;
	v34 =	vld [tilespmem:s26+$0x0]  }
0xc1: {  	v14 =	vmul.f32 v14, v16;
	v17 =	vld [tilespmem:s6+$0x0];
	vm5 =	veq.f32 v9, v9  }
0xc2: {  	vm8 =	vlt.f32 v8, $1.111111120e-01;
	vm1 =	vmand vm5, vm0;
	v35 =	vcvt.s32.f32 v33  }
0xc3: {  	s28 =	sadd.s32 $0x10, s6;
	v10 =	vmul.f32 v14, v10;
	v7 =	vmul.f32 v14, v7;
	v36 =	vsel vm1, $0x3F800000, v5  }
0xc4: {  	v39 =	vand.u32 $0x7FFFFFFF, v13;
	v38 =	vld [tilespmem:s28+$0x0];
	v37 =	vmul.f32 v35, v36;
	vm6 =	veq.f32 v3, v3  }
0xc5: {  	v7 =	vsub.f32 v10, v7;
	v40 =	vcvt.s32.f32 v34;
	vm7 =	vmand vm6, vm0  }
0xc6: {  	v45 =	vsel vm8, v11, v12;
	v43 =	vmul.f32 v37, v17;
	v41 =	vsel vm7, $0x3F800000, v5  }
0xc7: {  	v7 =	vand.u32 $0x7FFFFFFF, v7;
	v44 =	vmul.f32 v37, v9;
	v5 =	vmul.f32 v40, v41  }
0xc8: {  	v42 =	vmul.f32 $5.000000000e-01, v39;
	v49 =	vadd.f32 $-5.555555600e-02, v39;
	v47 =	vmul.f32 $5.000000000e-01, v7  }
0xc9: {  	v9 =	vsub.f32 v43, v44;
	v13 =	vmul.f32 v5, v38;
	v3 =	vmul.f32 v5, v3  }
0xca: {  	vm9 =	vlt.f32 v39, $1.111111120e-01;
	v6 =	vadd.f32 v45, v6;
	v46 =	vmul.f32 v42, v39  }
0xcb: {  	v50 =	vmul.f32 v47, v7;
	v9 =	vand.u32 $0x7FFFFFFF, v9;
	v3 =	vsub.f32 v13, v3  }
0xcc: {  	v48 =	vmul.f32 v46, v0;
	v52 =	vadd.f32 $-5.555555600e-02, v7;
	v51 =	vmul.f32 $5.000000000e-01, v9  }
0xcd: {  	vm10 =	vlt.f32 v7, $1.111111120e-01;
	v8 =	vmul.f32 v50, v0;
	v3 =	vand.u32 $0x7FFFFFFF, v3  }
0xce: {  	v5 =	vsel vm9, v48, v49;
	v53 =	vmul.f32 v51, v9;
	v54 =	vmul.f32 $5.000000000e-01, v3  }
0xcf: {  	v55 =	vsel vm10, v8, v52;
	v5 =	vadd.f32 v5, v6  }
0xd0: {  	v56 =	vadd.f32 $-5.555555600e-02, v9;
	v7 =	vmul.f32 v53, v0;
	v10 =	vmul.f32 v54, v3  }
0xd1: {  	vm11 =	vlt.f32 v9, $1.111111120e-01;
	v5 =	vadd.f32 v55, v5  }
0xd2: {  	v57 =	vsel vm11, v7, v56;
	v59 =	vadd.f32 $-5.555555600e-02, v3;
	v58 =	vmul.f32 v10, v0  }
0xd3: {  	vm12 =	vlt.f32 v3, $1.111111120e-01;
	v5 =	vadd.f32 v57, v5  }
0xd4: {  	v0 =	vsel vm12, v58, v59  }
0xd5: {  	(xrf2) =	vadd.scan.msk.f32 $0xffff, v2;
	v0 =	vadd.f32 v0, v5  }
0xd6: {  	(xrf2) =	vadd.scan.msk.f32 $0xffff, v4  }
0xd7: {  	(xrf2) =	vadd.scan.msk.f32 $0xffff, v0  }
0xd8: {  	(xrf2) =	vadd.scan.msk.f32 $0xffff, v1;
	_ =	sdelay $0x6  }
0xd9: {  	v60, _, _ =	vpop (xrf2)  }
0xda: {  	v61, _, _ =	vpop (xrf2)  }
0xdb: {  	v62, _, _ =	vpop (xrf2)  }
0xdc: {  	v63, _, _ =	vpop (xrf2)  }
0xdd: {  	v2 =	vbroadcast v62, $0xF;
	v3 =	vbroadcast v63, $0xF  }
0xde: {  	vm13 =	vcmask $0x3F0C;
	v1 =	vbroadcast v61, $0xF  }
0xdf: {  	vm14 =	vcmask $0x3F08;
	v0 =	vbroadcast v60, $0xF;
	v2 =	vsel vm13, v3, v2  }
0xe0: {  	vm15 =	vcmask $0x3F04;
	v1 =	vsel vm14, v2, v1  }
0xe1: {  	s4 =	sadd.s32 s4, s2;
	v0 =	vsel vm15, v1, v0  }
0xe2: {  	s29 =	simm.s32 $0x0;
	s30 =	simm.s32 $0x4500;
	s31 =	simm.s32 $0x5;
	[tilespmem:$0x4500] =	vst v0  }
0xe3: {  	[hbm4b:s4+s29] =	stream.linear.scatter [tilespmem:s30], [sflag:$0x5], $0x80, $0x38;
	[tilespmem:$0x4E00] =	vst v63  }
0xe4: {  	_ =	swait.ge [sflag:s31], $0x80  }
0xe5: {  	[sflag:s31] =	ssyncset.done $0x0  }
0xe6: {  	[sflag:s31] =	ssyncadd.s32 $0xFFFFFF80  }
0xe7: {  	p0 =	sne.s32 s3, $0x0;
	[bflag:$0x0] =	sbarrier.arrive $0xFFFF  }
0xe8: {  	_ =	sfence.sel @p0 $0x180000  }
0xe9: {  	[bflag:$0x0] =	sbarrier.arrive @p0 $0xFFFF  }
0xea: {  	_ =	strace @p0 $0x90000047  }
0xeb: {  	s3 =	simm.s32 @!p0 $0x0;
	s4 =	simm.s32 @!p0 $0x4600;
	[bflag:$0x2] =	sbarrier.arrive @p0 $0xFFFF  }
0xec: {  	[tilespmem:s4], [sflag:$0x5] =	stream.linear.gather @!p0 [hbm4b:s2+s3], $0x800, $0x38;
	[tilespmem:$0x4E00] =	vst v63  }
0xed: {  	s2 =	simm.s32 @!p0 $0x5  }
0xee: {  	_ =	swait.ge @!p0 [sflag:s2], $0x800  }
0xef: {  	[sflag:s2] =	ssyncset.done @!p0 $0x0  }
0xf0: {  	[sflag:s2] =	ssyncadd.s32 @!p0 $0xFFFFF800  }
0xf1: {  	v0 =	vld @!p0 [tilespmem:$0x4600];
	_ =	sdelay $0x1  }
0xf2: {  	v1 =	vld @!p0 [tilespmem:$0x4680];
	_ =	sdelay $0x1  }
0xf3: {  	v2 =	vld @!p0 [tilespmem:$0x4700]  }
0xf4: {  	v0 =	vadd.f32 @!p0 $0.0e+00, v0  }
0xf5: {  	v3 =	vld @!p0 [tilespmem:$0x4780]  }
0xf6: {  	v0 =	vadd.f32 @!p0 v1, v0  }
0xf7: {  	v1 =	vld @!p0 [tilespmem:$0x4800]  }
0xf8: {  	v0 =	vadd.f32 @!p0 v2, v0  }
0xf9: {  	v2 =	vld @!p0 [tilespmem:$0x4880]  }
0xfa: {  	v0 =	vadd.f32 @!p0 v3, v0  }
0xfb: {  	v3 =	vld @!p0 [tilespmem:$0x4900]  }
0xfc: {  	v0 =	vadd.f32 @!p0 v1, v0  }
0xfd: {  	v1 =	vld @!p0 [tilespmem:$0x4980]  }
0xfe: {  	v0 =	vadd.f32 @!p0 v2, v0  }
0xff: {  	v2 =	vld @!p0 [tilespmem:$0x4A00]  }
0x100: {  	v0 =	vadd.f32 @!p0 v3, v0  }
0x101: {  	v3 =	vld @!p0 [tilespmem:$0x4A80]  }
0x102: {  	v0 =	vadd.f32 @!p0 v1, v0  }
0x103: {  	v1 =	vld @!p0 [tilespmem:$0x4B00]  }
0x104: {  	v0 =	vadd.f32 @!p0 v2, v0  }
0x105: {  	v2 =	vld @!p0 [tilespmem:$0x4B80]  }
0x106: {  	v0 =	vadd.f32 @!p0 v3, v0  }
0x107: {  	v3 =	vld @!p0 [tilespmem:$0x4C00]  }
0x108: {  	v0 =	vadd.f32 @!p0 v1, v0  }
0x109: {  	v1 =	vld @!p0 [tilespmem:$0x4C80]  }
0x10a: {  	v0 =	vadd.f32 @!p0 v2, v0  }
0x10b: {  	v2 =	vld @!p0 [tilespmem:$0x4D00]  }
0x10c: {  	v0 =	vadd.f32 @!p0 v3, v0  }
0x10d: {  	v3 =	vld @!p0 [tilespmem:$0x4D80]  }
0x10e: {  	v0 =	vadd.f32 @!p0 v1, v0;
	_ =	sdelay $0x1  }
0x10f: {  	v0 =	vadd.f32 @!p0 v2, v0;
	_ =	sdelay $0x1  }
0x110: {  	v0 =	vadd.f32 @!p0 v3, v0  }
0x111: {  	vm0 =	vcmask @!p0 $0xB10  }
0x112: {  	v1 =	vsel @!p0 vm0, $0x0, v0  }
0x113: {  	(xrf2) =	vadd.scan.msk.f32 @!p0 $0xffff, v1;
	_ =	sdelay $0x9  }
0x114: {  	v1, _, _ =	vpop @!p0 (xrf2)  }
0x115: {  	(v2sf) =	vpush @!p0 v1, $0xF;
	_ =	sdelay $0xe  }
0x116: {  	s4 =	spop @!p0 (v2sf)  }
0x117: {  	s4 =	sadd.f32 @!p0 $9.999999740e-05, s4;
	_ =	sdelay $0x1  }
0x118: {  	v1 =	vmov @!p0 s4  }
0x119: {  	(erf) = vrcp.f32 @!p0 v1;
	_ =	sdelay $0x8  }
0x11a: {  	v1 =	vpop @!p0 (erf)  }
0x11b: {  	v0 =	vmul.f32 @!p0 v1, v0;
	_ =	sdelay $0x1  }
0x11c: {  	s4 =	simm.s32 @!p0 $0x4580;
	[tilespmem:$0x4580] =	vst @!p0 v0  }
0x11d: {  	[hbm4b:s1+s3] =	stream.linear.scatter @!p0 [tilespmem:s4], [sflag:$0x5], $0x3, $0x38;
	[tilespmem:$0x4E00] =	vst v63  }
0x11e: {  	_ =	swait.ge @!p0 [sflag:s2], $0x3  }
0x11f: {  	[sflag:s2] =	ssyncset.done @!p0 $0x0  }
0x120: {  	[sflag:s2] =	ssyncadd.s32 @!p0 $0xFFFFFFFD  }
0x121: {  	_ =	sfence.sel @!p0 $0x180000  }
0x122: {  	[bflag:$0x0] =	sbarrier.arrive @!p0 $0xFFFF  }
0x123: {  	_ =	strace @!p0 $0x90000047  }
0x124: {  	s0 =	sadd.s32 @!p0 $0x100000, s0;
	[bflag:$0x2] =	sbarrier.arrive @!p0 $0xFFFF  }
0x125: {  	[sflag:s0] =	ssyncadd.tile.s32 @!p0 $0x1;
	_ =	shalt  }
.Lfunc_end2:
_tile_overlayer_lowered:
.L_overlay_start_2:
0x126: {  	(tag) =	ssettag $0x2  }
0x127: {  	s0 =	rddreg [dreg:$0x0];
	s2 =	stileid.u32  }
0x128: {  	s1 =	rddreg [dreg:$0x1];
	p0 =	sne.s32 s2, $0x0  }
0x129: {  	s3 =	rddreg [dreg:$0x2];
	[bflag:$0x3] =	sbarrier.arrive $0xFFFF;
	s2 =	simm.s32 @!p0 $0x1C05  }
0x12a: {  	[timem:s3], [sflag:s2] =	dma.local @!p0 [hbm:s0], s1  }
0x12b: {  	s0 =	simm.s32 @!p0 $0x5  }
0x12c: {  	_ =	swait.ge @!p0 [sflag:s0], s1  }
0x12d: {  	s1 =	ssub.s32 @!p0 $0x0, s1;
	[sflag:s0] =	ssyncset.done @!p0 $0x0  }
0x12e: {  	[sflag:s0] =	ssyncadd.s32 @!p0 s1  }
0x12f: {  	[bflag:$0x3] =	sbarrier.arrive $0xFFFF  }
0x130: {  	_ =	shalt  }

</sc_bundles>
